<compile_context>
chip_gen: v7x
topology: tpu7x:2x2x1
jax: 0.10.2.dev20260603
libtpu: 0.0.44.dev20260713+nightly
codegen_flags: <defaults>
</compile_context>

<pallas_src>
import functools

import jax
import jax.numpy as jnp
from jax import lax
from jax.experimental import pallas as pl
from jax.experimental.pallas import tpu as pltpu
from jax.experimental.pallas import tpu_sc as plsc

B, P, N, G = 16, 16, 16384, 64
G3 = G * G * G
LANES = 16
NW = 32
PAIRS_PER_W = (B * P) // NW
CHUNK = 2048
NCH = N // CHUNK
NT = PAIRS_PER_W * NCH


def _floor_f32(x):
    t = x.astype(jnp.int32)
    tf = t.astype(jnp.float32)
    return jnp.where(tf > x, t - 1, t)


def _sc_body(pts_hbm, par_hbm, cpx_hbm, cpy_hbm, cpz_hbm, vox_hbm, out_hbm,
             pts_v, par_v, acc_v,
             idx0, rx0, ry0, rz0, gx0, gy0, gz0, gv0, sem0,
             idx1, rx1, ry1, rz1, gx1, gy1, gz1, gv1, sem1):
    cid = lax.axis_index("c")
    sid = lax.axis_index("s")
    wid = cid * 16 + sid
    b = wid // 2
    p0 = (wid % 2) * PAIRS_PER_W

    pltpu.sync_copy(pts_hbm.at[pl.ds(b * 3 * N, 3 * N)], pts_v)
    pltpu.sync_copy(
        par_hbm.at[pl.ds((b * P + p0) * 4 * LANES, PAIRS_PER_W * 4 * LANES)],
        par_v)

    bufs = (
        (idx0, rx0, ry0, rz0, gx0, gy0, gz0, gv0, sem0),
        (idx1, rx1, ry1, rz1, gx1, gy1, gz1, gv1, sem1),
    )

    def pass1(t, buf):
        idx_b, rx_v, ry_v, rz_v = buf[0], buf[1], buf[2], buf[3]
        j = t // NCH
        cbase = (t % NCH) * CHUNK
        po = j * 4 * LANES
        nx = par_v[pl.ds(po, LANES)]
        ny = par_v[pl.ds(po + LANES, LANES)]
        nz = par_v[pl.ds(po + 2 * LANES, LANES)]
        dd = par_v[pl.ds(po + 3 * LANES, LANES)]

        def step(i, carry):
            o = cbase + i * LANES
            px = pts_v[pl.ds(o, LANES)]
            py = pts_v[pl.ds(N + o, LANES)]
            pz = pts_v[pl.ds(2 * N + o, LANES)]
            inner = px * nx + py * ny + pz * nz + dd
            t2 = inner + inner
            rx = px - t2 * nx
            ry = py - t2 * ny
            rz = pz - t2 * nz
            ix = _floor_f32((rx + 0.5) * float(G))
            iy = _floor_f32((ry + 0.5) * float(G))
            iz = _floor_f32((rz + 0.5) * float(G))
            cell = jnp.clip(ix * (G * G) + iy * G + iz, 0, G3 - 1)
            lo = i * LANES
            idx_b[pl.ds(lo, LANES)] = cell + b * G3
            rx_v[pl.ds(lo, LANES)] = rx
            ry_v[pl.ds(lo, LANES)] = ry
            rz_v[pl.ds(lo, LANES)] = rz
            return carry

        lax.fori_loop(0, CHUNK // LANES, step, 0)

    def descs(buf):
        idx_b = buf[0]
        sem = buf[8]
        return [
            pltpu.make_async_copy(tab.at[idx_b], dst, sem)
            for tab, dst in ((cpx_hbm, buf[4]), (cpy_hbm, buf[5]),
                             (cpz_hbm, buf[6]), (vox_hbm, buf[7]))
        ]

    def start_dma(buf):
        for d in descs(buf):
            d.start()

    def wait_dma(buf):
        for d in descs(buf):
            d.wait()

    def pass2(buf, acc):
        rx_v, ry_v, rz_v = buf[1], buf[2], buf[3]
        gx_v, gy_v, gz_v, gv_v = buf[4], buf[5], buf[6], buf[7]

        def step(i, acc):
            ro = i * LANES
            dx = rx_v[pl.ds(ro, LANES)] - gx_v[pl.ds(ro, LANES)]
            dy = ry_v[pl.ds(ro, LANES)] - gy_v[pl.ds(ro, LANES)]
            dz = rz_v[pl.ds(ro, LANES)] - gz_v[pl.ds(ro, LANES)]
            m = 1.0 - gv_v[pl.ds(ro, LANES)]
            return acc + (dx * dx + dy * dy + dz * dz) * (m * m)

        return lax.fori_loop(0, CHUNK // LANES, step, acc)

    pass1(0, bufs[0])
    start_dma(bufs[0])

    def body(g, acc):
        pass1(2 * g + 1, bufs[1])
        start_dma(bufs[1])
        wait_dma(bufs[0])
        acc = pass2(bufs[0], acc)
        pass1(2 * g + 2, bufs[0])
        start_dma(bufs[0])
        wait_dma(bufs[1])
        return pass2(bufs[1], acc)

    acc = lax.fori_loop(0, NT // 2 - 1, body, jnp.zeros((LANES,), jnp.float32))
    pass1(NT - 1, bufs[1])
    start_dma(bufs[1])
    wait_dma(bufs[0])
    acc = pass2(bufs[0], acc)
    wait_dma(bufs[1])
    acc = pass2(bufs[1], acc)

    acc_v[...] = acc
    pltpu.sync_copy(acc_v, out_hbm.at[pl.ds(wid * LANES, LANES)])


def _buf_types():
    return [
        pltpu.VMEM((CHUNK,), jnp.int32),
        pltpu.VMEM((CHUNK,), jnp.float32),
        pltpu.VMEM((CHUNK,), jnp.float32),
        pltpu.VMEM((CHUNK,), jnp.float32),
        pltpu.VMEM((CHUNK,), jnp.float32),
        pltpu.VMEM((CHUNK,), jnp.float32),
        pltpu.VMEM((CHUNK,), jnp.float32),
        pltpu.VMEM((CHUNK,), jnp.float32),
        pltpu.SemaphoreType.DMA,
    ]


_sc_loss = functools.partial(
    pl.kernel,
    out_type=jax.ShapeDtypeStruct((NW * LANES,), jnp.float32),
    mesh=plsc.VectorSubcoreMesh(core_axis_name="c", subcore_axis_name="s"),
    scratch_types=[
        pltpu.VMEM((3 * N,), jnp.float32),
        pltpu.VMEM((PAIRS_PER_W * 4 * LANES,), jnp.float32),
        pltpu.VMEM((LANES,), jnp.float32),
    ] + _buf_types() + _buf_types(),
    compiler_params=pltpu.CompilerParams(use_tc_tiling_on_sc=False),
)(_sc_body)


def kernel(points, closest_points, voxel, planes):
    eps = 1e-12
    ns = planes[..., :3]
    ds = planes[..., 3]
    ns_norm = jnp.sqrt(jnp.sum(ns * ns, axis=2, keepdims=True))
    n_unit = ns / (ns_norm + eps)
    d_unit = ds[..., None] / (ns_norm + eps)
    params = jnp.concatenate([n_unit, d_unit], axis=-1)
    par_1d = jnp.broadcast_to(params[..., None], (B, P, 4, LANES)).reshape(-1)
    pts_1d = jnp.transpose(points, (0, 2, 1)).reshape(-1)
    cpx = closest_points[..., 0].reshape(-1)
    cpy = closest_points[..., 1].reshape(-1)
    cpz = closest_points[..., 2].reshape(-1)
    vox_1d = voxel.reshape(-1)
    partial = _sc_loss(pts_1d, par_1d, cpx, cpy, cpz, vox_1d)
    return jnp.sum(partial) / (B * P)

# --- scband reference (transcript-rebuilt; emitter-appended) ---
"""Pipeline reference for scband-sym-plane-loss-47983374630913 (READ-ONLY COPY).

The authoritative reference and input builder live on the scoring server;
editing this copy changes nothing except your own understanding.
"""

import jax, jax.numpy as jnp
import numpy as np


def setup_inputs(seed: int = 0) -> dict:
    key = jax.random.key(seed)
    k1, k2, k3, k4 = jax.random.split(key, 4)
    points = jax.random.uniform(k1, (16, 16384, 3), dtype=jnp.float32)
    closest_points = jax.random.uniform(k2, (16, 64, 64, 64, 3), dtype=jnp.float32)
    voxel = jax.random.uniform(k3, (16, 64, 64, 64), dtype=jnp.float32)
    planes = jax.random.normal(k4, (16, 16, 4), dtype=jnp.float32)
    return {"points": points, "closest_points": closest_points, "voxel": voxel, "planes": planes}


def reference(points, closest_points, voxel, planes):
    eps = 1e-12
    B = voxel.shape[0]
    G = voxel.shape[1]
    P = planes.shape[1]
    N = points.shape[1]
    ns = planes[..., :3]
    ds = planes[..., 3]
    ns_norm = jnp.sqrt(jnp.sum(ns * ns, axis=2, keepdims=True))
    n_unit = ns / (ns_norm + eps)
    d_unit = ds[..., None] / (ns_norm + eps)
    pts_e = jnp.broadcast_to(points[:, None, :, :], (B, P, N, 3))
    n_e = n_unit[:, :, None, :]
    d_e = d_unit[:, :, None, :]
    inner = jnp.sum(pts_e * n_e, axis=-1, keepdims=True) + d_e
    reflected = pts_e - 2.0 * inner * n_e
    idx = jnp.floor((reflected + 0.5) * G).astype(jnp.int32)
    idx = idx[..., 0] * G * G + idx[..., 1] * G + idx[..., 2]
    idx = jnp.clip(idx, 0, G ** 3 - 1)
    cp_flat = closest_points.reshape(B, -1, 3)
    vox_flat = voxel.reshape(B, -1)
    b_ix = jnp.arange(B)[:, None, None]
    cp_sel = cp_flat[b_ix, idx]
    mask = 1.0 - vox_flat[b_ix, idx]
    diff = (reflected - cp_sel) * mask[..., None]
    loss = jnp.mean(jnp.sum(jnp.sum(diff ** 2, axis=-1), axis=-1))
    return loss

if __name__ == "__main__":
    import jax
    _d = setup_inputs()
    print(jax.jit(kernel)(*tuple(_d.values())))

</pallas_src>

<mosaic_0001>
#map = affine_map<(d0, d1) -> (0)>
module attributes {stable_mosaic.version = 14 : i64} {
  func.func @_sc_body(%arg0: i32, %arg1: i32, %arg2: memref<786432xf32, #tpu.memory_space<hbm>>, %arg3: memref<16384xf32, #tpu.memory_space<hbm>>, %arg4: memref<4194304xf32, #tpu.memory_space<hbm>>, %arg5: memref<4194304xf32, #tpu.memory_space<hbm>>, %arg6: memref<4194304xf32, #tpu.memory_space<hbm>>, %arg7: memref<4194304xf32, #tpu.memory_space<hbm>>, %arg8: memref<512xf32, #tpu.memory_space<hbm>>, %arg9: memref<49152xf32, #tpu.memory_space<vmem>>, %arg10: memref<512xf32, #tpu.memory_space<vmem>>, %arg11: memref<16xf32, #tpu.memory_space<vmem>>, %arg12: memref<2048xi32, #tpu.memory_space<vmem>>, %arg13: memref<2048xf32, #tpu.memory_space<vmem>>, %arg14: memref<2048xf32, #tpu.memory_space<vmem>>, %arg15: memref<2048xf32, #tpu.memory_space<vmem>>, %arg16: memref<2048xf32, #tpu.memory_space<vmem>>, %arg17: memref<2048xf32, #tpu.memory_space<vmem>>, %arg18: memref<2048xf32, #tpu.memory_space<vmem>>, %arg19: memref<2048xf32, #tpu.memory_space<vmem>>, %arg20: memref<!tpu.dma_semaphore, #tpu.memory_space<semaphore_mem>>, %arg21: memref<2048xi32, #tpu.memory_space<vmem>>, %arg22: memref<2048xf32, #tpu.memory_space<vmem>>, %arg23: memref<2048xf32, #tpu.memory_space<vmem>>, %arg24: memref<2048xf32, #tpu.memory_space<vmem>>, %arg25: memref<2048xf32, #tpu.memory_space<vmem>>, %arg26: memref<2048xf32, #tpu.memory_space<vmem>>, %arg27: memref<2048xf32, #tpu.memory_space<vmem>>, %arg28: memref<2048xf32, #tpu.memory_space<vmem>>, %arg29: memref<!tpu.dma_semaphore, #tpu.memory_space<semaphore_mem>>) attributes {dimension_semantics = [#tpu.dimension_semantics<core_parallel>, #tpu.dimension_semantics<subcore_parallel>], iteration_bounds = array<i64: 2, 16>, scalar_prefetch = 0 : i64, scratch_operands = 21 : i64, tpu.core_type = #tpu.core_type<sc_vector_subcore>, window_params = [{transform_indices = #map}, {transform_indices = #map}, {transform_indices = #map}, {transform_indices = #map}, {transform_indices = #map}, {transform_indices = #map}, {transform_indices = #map}]} {
    %mul3A = arith.constant 16 : i32
    %mul3A_0 = arith.muli %arg0, %mul3A : i32
    %add3A = arith.addi %mul3A_0, %arg1 : i32
    %jit3A = arith.constant 2 : i32
    %div3A = arith.divsi %add3A, %jit3A : i32
    %sign3A = arith.constant 0 : i32
    %sign3A_1 = arith.cmpi sgt, %add3A, %sign3A : i32
    %sign3A_2 = arith.extui %sign3A_1 : i1 to i32
    %sign3A_3 = arith.constant 0 : i32
    %sign3A_4 = arith.cmpi slt, %add3A, %sign3A_3 : i32
    %sign3A_5 = arith.extui %sign3A_4 : i1 to i32
    %sign3A_6 = arith.subi %sign3A_2, %sign3A_5 : i32
    %sign3A_7 = arith.constant 0 : i32
    %sign3A_8 = arith.cmpi sgt, %jit3A, %sign3A_7 : i32
    %sign3A_9 = arith.extui %sign3A_8 : i1 to i32
    %sign3A_10 = arith.constant 0 : i32
    %sign3A_11 = arith.cmpi slt, %jit3A, %sign3A_10 : i32
    %sign3A_12 = arith.extui %sign3A_11 : i1 to i32
    %sign3A_13 = arith.subi %sign3A_9, %sign3A_12 : i32
    %ne3A = arith.cmpi ne, %sign3A_6, %sign3A_13 : i32
    %rem3A = arith.remsi %add3A, %jit3A : i32
    %ne3A_14 = arith.constant 0 : i32
    %ne3A_15 = arith.cmpi ne, %rem3A, %ne3A_14 : i32
    %and3A = arith.andi %ne3A, %ne3A_15 : i1
    %sub3A = arith.constant 1 : i32
    %sub3A_16 = arith.subi %div3A, %sub3A : i32
    %select_n3A = arith.select %and3A, %sub3A_16, %div3A : i32
    %jit3A_17 = arith.constant 2 : i32
    %eq3A = arith.constant 0 : i32
    %eq3A_18 = arith.cmpi eq, %jit3A_17, %eq3A : i32
    %jit3A_19 = arith.constant 1 : i32
    %select_n3A_20 = arith.select %eq3A_18, %jit3A_19, %jit3A_17 : i32
    %rem3A_21 = arith.remsi %add3A, %select_n3A_20 : i32
    %ne3A_22 = arith.constant 0 : i32
    %ne3A_23 = arith.cmpi ne, %rem3A_21, %ne3A_22 : i32
    %lt3A = arith.constant 0 : i32
    %lt3A_24 = arith.cmpi slt, %rem3A_21, %lt3A : i32
    %lt3A_25 = arith.constant 0 : i32
    %lt3A_26 = arith.cmpi slt, %select_n3A_20, %lt3A_25 : i32
    %ne3A_27 = arith.xori %lt3A_24, %lt3A_26 : i1
    %and3A_28 = arith.andi %ne3A_27, %ne3A_23 : i1
    %add3A_29 = arith.addi %rem3A_21, %select_n3A_20 : i32
    %select_n3A_30 = arith.select %and3A_28, %add3A_29, %rem3A_21 : i32
    %mul3A_31 = arith.constant 8 : i32
    %mul3A_32 = arith.muli %select_n3A_30, %mul3A_31 : i32
    %mul3A_33 = arith.constant 3 : i32
    %mul3A_34 = arith.muli %select_n3A, %mul3A_33 : i32
    %mul3A_35 = arith.constant 16384 : i32
    %mul3A_36 = arith.muli %mul3A_34, %mul3A_35 : i32
    "tpu.region"() ({
      %run_scoped3A = tpu.sem_alloc : memref<!tpu.dma_semaphore, #tpu.memory_space<semaphore_mem>>
      %dma_start3A_132 = tpu.memref_slice %arg2[%mul3A_36] : memref<786432xf32, #tpu.memory_space<hbm>> -> memref<49152xf32, #tpu.memory_space<hbm>>
      %dma_start3A_133 = tpu.memref_slice %arg2[%mul3A_36] : memref<786432xf32, #tpu.memory_space<hbm>> -> memref<49152xf32, #tpu.memory_space<hbm>>
      tpu.enqueue_dma source(%dma_start3A_133 : memref<49152xf32, #tpu.memory_space<hbm>>) target(%arg9 : memref<49152xf32, #tpu.memory_space<vmem>>) target_semaphore(%run_scoped3A : memref<!tpu.dma_semaphore, #tpu.memory_space<semaphore_mem>>)
      %dma_wait3A_134 = tpu.memref_slice %arg2[%mul3A_36] : memref<786432xf32, #tpu.memory_space<hbm>> -> memref<49152xf32, #tpu.memory_space<hbm>>
      %dma_wait3A_135 = tpu.memref_slice %arg2[%mul3A_36] : memref<786432xf32, #tpu.memory_space<hbm>> -> memref<49152xf32, #tpu.memory_space<hbm>>
      tpu.wait_dma2 semaphore(%run_scoped3A : memref<!tpu.dma_semaphore, #tpu.memory_space<semaphore_mem>>) src(%dma_wait3A_135 : memref<49152xf32, #tpu.memory_space<hbm>>) dst(%arg9 : memref<49152xf32, #tpu.memory_space<vmem>>)
      tpu.yield
    }) : () -> ()
    %mul3A_37 = arith.constant 16 : i32
    %mul3A_38 = arith.muli %select_n3A, %mul3A_37 : i32
    %add3A_39 = arith.addi %mul3A_38, %mul3A_32 : i32
    %mul3A_40 = arith.constant 4 : i32
    %mul3A_41 = arith.muli %add3A_39, %mul3A_40 : i32
    %mul3A_42 = arith.constant 16 : i32
    %mul3A_43 = arith.muli %mul3A_41, %mul3A_42 : i32
    "tpu.region"() ({
      %run_scoped3A = tpu.sem_alloc : memref<!tpu.dma_semaphore, #tpu.memory_space<semaphore_mem>>
      %dma_start3A_132 = tpu.memref_slice %arg3[%mul3A_43] : memref<16384xf32, #tpu.memory_space<hbm>> -> memref<512xf32, #tpu.memory_space<hbm>>
      %dma_start3A_133 = tpu.memref_slice %arg3[%mul3A_43] : memref<16384xf32, #tpu.memory_space<hbm>> -> memref<512xf32, #tpu.memory_space<hbm>>
      tpu.enqueue_dma source(%dma_start3A_133 : memref<512xf32, #tpu.memory_space<hbm>>) target(%arg10 : memref<512xf32, #tpu.memory_space<vmem>>) target_semaphore(%run_scoped3A : memref<!tpu.dma_semaphore, #tpu.memory_space<semaphore_mem>>)
      %dma_wait3A_134 = tpu.memref_slice %arg3[%mul3A_43] : memref<16384xf32, #tpu.memory_space<hbm>> -> memref<512xf32, #tpu.memory_space<hbm>>
      %dma_wait3A_135 = tpu.memref_slice %arg3[%mul3A_43] : memref<16384xf32, #tpu.memory_space<hbm>> -> memref<512xf32, #tpu.memory_space<hbm>>
      tpu.wait_dma2 semaphore(%run_scoped3A : memref<!tpu.dma_semaphore, #tpu.memory_space<semaphore_mem>>) src(%dma_wait3A_135 : memref<512xf32, #tpu.memory_space<hbm>>) dst(%arg10 : memref<512xf32, #tpu.memory_space<vmem>>)
      tpu.yield
    }) : () -> ()
    %get3A = arith.constant 0 : index
    %get3A_44 = tpu.vector_load %arg10[%get3A] {strides = array<i32>} : memref<512xf32, #tpu.memory_space<vmem>>, vector<16xf32>,
    %get3A_45 = vector.shape_cast %get3A_44 : vector<16xf32> to vector<16xf32>
    %get3A_46 = arith.constant 16 : index
    %get3A_47 = tpu.vector_load %arg10[%get3A_46] {strides = array<i32>} : memref<512xf32, #tpu.memory_space<vmem>>, vector<16xf32>,
    %get3A_48 = vector.shape_cast %get3A_47 : vector<16xf32> to vector<16xf32>
    %get3A_49 = arith.constant 32 : index
    %get3A_50 = tpu.vector_load %arg10[%get3A_49] {strides = array<i32>} : memref<512xf32, #tpu.memory_space<vmem>>, vector<16xf32>,
    %get3A_51 = vector.shape_cast %get3A_50 : vector<16xf32> to vector<16xf32>
    %get3A_52 = arith.constant 48 : index
    %get3A_53 = tpu.vector_load %arg10[%get3A_52] {strides = array<i32>} : memref<512xf32, #tpu.memory_space<vmem>>, vector<16xf32>,
    %get3A_54 = vector.shape_cast %get3A_53 : vector<16xf32> to vector<16xf32>
    %scan3A = arith.constant 0 : i32
    %scan3A_55 = arith.constant 0 : i32
    %scan3A_56 = arith.constant 128 : i32
    %scan3A_57 = arith.addi %scan3A_55, %scan3A_56 : i32
    %scan3A_58 = arith.constant 1 : i32
    scf.for %scan3A_132 = %scan3A_55 to %scan3A_57 step %scan3A_58  : i32 {
      %mul3A_133 = arith.constant 16 : i32
      %mul3A_134 = arith.muli %scan3A_132, %mul3A_133 : i32
      %add3A_135 = arith.constant 0 : i32
      %add3A_136 = arith.addi %add3A_135, %mul3A_134 : i32
      %get3A_137 = arith.index_cast %add3A_136 : i32 to index
      %get3A_138 = tpu.vector_load %arg9[%get3A_137] {strides = array<i32>} : memref<49152xf32, #tpu.memory_space<vmem>>, vector<16xf32>,
      %get3A_139 = vector.shape_cast %get3A_138 : vector<16xf32> to vector<16xf32>
      %add3A_140 = arith.constant 16384 : i32
      %add3A_141 = arith.addi %add3A_140, %add3A_136 : i32
      %get3A_142 = arith.index_cast %add3A_141 : i32 to index
      %get3A_143 = tpu.vector_load %arg9[%get3A_142] {strides = array<i32>} : memref<49152xf32, #tpu.memory_space<vmem>>, vector<16xf32>,
      %get3A_144 = vector.shape_cast %get3A_143 : vector<16xf32> to vector<16xf32>
      %add3A_145 = arith.constant 32768 : i32
      %add3A_146 = arith.addi %add3A_145, %add3A_136 : i32
      %get3A_147 = arith.index_cast %add3A_146 : i32 to index
      %get3A_148 = tpu.vector_load %arg9[%get3A_147] {strides = array<i32>} : memref<49152xf32, #tpu.memory_space<vmem>>, vector<16xf32>,
      %get3A_149 = vector.shape_cast %get3A_148 : vector<16xf32> to vector<16xf32>
      %mul3A_150 = arith.mulf %get3A_139, %get3A_45 : vector<16xf32>
      %mul3A_151 = arith.mulf %get3A_144, %get3A_48 : vector<16xf32>
      %add3A_152 = arith.addf %mul3A_150, %mul3A_151 : vector<16xf32>
      %mul3A_153 = arith.mulf %get3A_149, %get3A_51 : vector<16xf32>
      %add3A_154 = arith.addf %add3A_152, %mul3A_153 : vector<16xf32>
      %add3A_155 = arith.addf %add3A_154, %get3A_54 : vector<16xf32>
      %add3A_156 = arith.addf %add3A_155, %add3A_155 : vector<16xf32>
      %mul3A_157 = arith.mulf %add3A_156, %get3A_45 : vector<16xf32>
      %sub3A_158 = arith.subf %get3A_139, %mul3A_157 : vector<16xf32>
      %mul3A_159 = arith.mulf %add3A_156, %get3A_48 : vector<16xf32>
      %sub3A_160 = arith.subf %get3A_144, %mul3A_159 : vector<16xf32>
      %mul3A_161 = arith.mulf %add3A_156, %get3A_51 : vector<16xf32>
      %sub3A_162 = arith.subf %get3A_149, %mul3A_161 : vector<16xf32>
      %add3A_163 = arith.constant 5.000000e-01 : f32
      %add3A_164 = vector.broadcast %add3A_163 : f32 to vector<16xf32>
      %add3A_165 = arith.addf %sub3A_158, %add3A_164 : vector<16xf32>
      %mul3A_166 = arith.constant 6.400000e+01 : f32
      %mul3A_167 = vector.broadcast %mul3A_166 : f32 to vector<16xf32>
      %mul3A_168 = arith.mulf %add3A_165, %mul3A_167 : vector<16xf32>
      %convert_element_type3A = arith.fptosi %mul3A_168 : vector<16xf32> to vector<16xi32>
      %convert_element_type3A_169 = arith.sitofp %convert_element_type3A : vector<16xi32> to vector<16xf32>
      %gt3A = arith.cmpf ogt, %convert_element_type3A_169, %mul3A_168 : vector<16xf32>
      %sub3A_170 = arith.constant 1 : i32
      %sub3A_171 = vector.broadcast %sub3A_170 : i32 to vector<16xi32>
      %sub3A_172 = arith.subi %convert_element_type3A, %sub3A_171 : vector<16xi32>
      %select_n3A_173 = arith.select %gt3A, %sub3A_172, %convert_element_type3A : vector<16xi1>, vector<16xi32>
      %add3A_174 = arith.constant 5.000000e-01 : f32
      %add3A_175 = vector.broadcast %add3A_174 : f32 to vector<16xf32>
      %add3A_176 = arith.addf %sub3A_160, %add3A_175 : vector<16xf32>
      %mul3A_177 = arith.constant 6.400000e+01 : f32
      %mul3A_178 = vector.broadcast %mul3A_177 : f32 to vector<16xf32>
      %mul3A_179 = arith.mulf %add3A_176, %mul3A_178 : vector<16xf32>
      %convert_element_type3A_180 = arith.fptosi %mul3A_179 : vector<16xf32> to vector<16xi32>
      %convert_element_type3A_181 = arith.sitofp %convert_element_type3A_180 : vector<16xi32> to vector<16xf32>
      %gt3A_182 = arith.cmpf ogt, %convert_element_type3A_181, %mul3A_179 : vector<16xf32>
      %sub3A_183 = arith.constant 1 : i32
      %sub3A_184 = vector.broadcast %sub3A_183 : i32 to vector<16xi32>
      %sub3A_185 = arith.subi %convert_element_type3A_180, %sub3A_184 : vector<16xi32>
      %select_n3A_186 = arith.select %gt3A_182, %sub3A_185, %convert_element_type3A_180 : vector<16xi1>, vector<16xi32>
      %add3A_187 = arith.constant 5.000000e-01 : f32
      %add3A_188 = vector.broadcast %add3A_187 : f32 to vector<16xf32>
      %add3A_189 = arith.addf %sub3A_162, %add3A_188 : vector<16xf32>
      %mul3A_190 = arith.constant 6.400000e+01 : f32
      %mul3A_191 = vector.broadcast %mul3A_190 : f32 to vector<16xf32>
      %mul3A_192 = arith.mulf %add3A_189, %mul3A_191 : vector<16xf32>
      %convert_element_type3A_193 = arith.fptosi %mul3A_192 : vector<16xf32> to vector<16xi32>
      %convert_element_type3A_194 = arith.sitofp %convert_element_type3A_193 : vector<16xi32> to vector<16xf32>
      %gt3A_195 = arith.cmpf ogt, %convert_element_type3A_194, %mul3A_192 : vector<16xf32>
      %sub3A_196 = arith.constant 1 : i32
      %sub3A_197 = vector.broadcast %sub3A_196 : i32 to vector<16xi32>
      %sub3A_198 = arith.subi %convert_element_type3A_193, %sub3A_197 : vector<16xi32>
      %select_n3A_199 = arith.select %gt3A_195, %sub3A_198, %convert_element_type3A_193 : vector<16xi1>, vector<16xi32>
      %mul3A_200 = arith.constant 4096 : i32
      %mul3A_201 = vector.broadcast %mul3A_200 : i32 to vector<16xi32>
      %mul3A_202 = arith.muli %select_n3A_173, %mul3A_201 : vector<16xi32>
      %mul3A_203 = arith.constant 64 : i32
      %mul3A_204 = vector.broadcast %mul3A_203 : i32 to vector<16xi32>
      %mul3A_205 = arith.muli %select_n3A_186, %mul3A_204 : vector<16xi32>
      %add3A_206 = arith.addi %mul3A_202, %mul3A_205 : vector<16xi32>
      %add3A_207 = arith.addi %add3A_206, %select_n3A_199 : vector<16xi32>
      %jit3A_208 = arith.constant 0 : i32
      %jit3A_209 = arith.constant 262143 : i32
      %max3A = vector.broadcast %jit3A_208 : i32 to vector<16xi32>
      %max3A_210 = arith.maxsi %max3A, %add3A_207 : vector<16xi32>
      %min3A = vector.broadcast %jit3A_209 : i32 to vector<16xi32>
      %min3A_211 = arith.minsi %min3A, %max3A_210 : vector<16xi32>
      %mul3A_212 = arith.constant 16 : i32
      %mul3A_213 = arith.muli %scan3A_132, %mul3A_212 : i32
      %mul3A_214 = arith.constant 262144 : i32
      %mul3A_215 = arith.muli %select_n3A, %mul3A_214 : i32
      %add3A_216 = vector.broadcast %mul3A_215 : i32 to vector<16xi32>
      %add3A_217 = arith.addi %min3A_211, %add3A_216 : vector<16xi32>
      %swap3A_218 = arith.index_cast %mul3A_213 : i32 to index
      %swap3A_219 = tpu.vector_load %arg12[%swap3A_218] {strides = array<i32>} : memref<2048xi32, #tpu.memory_space<vmem>>, vector<16xi32>,
      %swap3A_220 = vector.shape_cast %swap3A_219 : vector<16xi32> to vector<16xi32>
      %swap3A_221 = vector.shape_cast %add3A_217 : vector<16xi32> to vector<16xi32>
      tpu.vector_store %arg12[%swap3A_218], %swap3A_221 {strides = array<i32>} : memref<2048xi32, #tpu.memory_space<vmem>>, vector<16xi32>,
      %swap3A_222 = arith.index_cast %mul3A_213 : i32 to index
      %swap3A_223 = tpu.vector_load %arg13[%swap3A_222] {strides = array<i32>} : memref<2048xf32, #tpu.memory_space<vmem>>, vector<16xf32>,
      %swap3A_224 = vector.shape_cast %swap3A_223 : vector<16xf32> to vector<16xf32>
      %swap3A_225 = vector.shape_cast %sub3A_158 : vector<16xf32> to vector<16xf32>
      tpu.vector_store %arg13[%swap3A_222], %swap3A_225 {strides = array<i32>} : memref<2048xf32, #tpu.memory_space<vmem>>, vector<16xf32>,
      %swap3A_226 = arith.index_cast %mul3A_213 : i32 to index
      %swap3A_227 = tpu.vector_load %arg14[%swap3A_226] {strides = array<i32>} : memref<2048xf32, #tpu.memory_space<vmem>>, vector<16xf32>,
      %swap3A_228 = vector.shape_cast %swap3A_227 : vector<16xf32> to vector<16xf32>
      %swap3A_229 = vector.shape_cast %sub3A_160 : vector<16xf32> to vector<16xf32>
      tpu.vector_store %arg14[%swap3A_226], %swap3A_229 {strides = array<i32>} : memref<2048xf32, #tpu.memory_space<vmem>>, vector<16xf32>,
      %swap3A_230 = arith.index_cast %mul3A_213 : i32 to index
      %swap3A_231 = tpu.vector_load %arg15[%swap3A_230] {strides = array<i32>} : memref<2048xf32, #tpu.memory_space<vmem>>, vector<16xf32>,
      %swap3A_232 = vector.shape_cast %swap3A_231 : vector<16xf32> to vector<16xf32>
      %swap3A_233 = vector.shape_cast %sub3A_162 : vector<16xf32> to vector<16xf32>
      tpu.vector_store %arg15[%swap3A_230], %swap3A_233 {strides = array<i32>} : memref<2048xf32, #tpu.memory_space<vmem>>, vector<16xf32>,
    }
    %scan3A_59 = arith.constant 128 : i32
    %dma_start3A = arith.constant 0 : i32
    %dma_start3A_60 = tpu.memref_slice %arg4[%dma_start3A] : memref<4194304xf32, #tpu.memory_space<hbm>> -> memref<4194304xf32, #tpu.memory_space<hbm>>
    tpu.enqueue_indirect_dma source(%dma_start3A_60 : memref<4194304xf32, #tpu.memory_space<hbm>>) target(%arg16 : memref<2048xf32, #tpu.memory_space<vmem>>) offsets(%arg12 : memref<2048xi32, #tpu.memory_space<vmem>>) semaphore(%arg20 : memref<!tpu.dma_semaphore, #tpu.memory_space<semaphore_mem>>)
    %dma_start3A_61 = arith.constant 0 : i32
    %dma_start3A_62 = tpu.memref_slice %arg5[%dma_start3A_61] : memref<4194304xf32, #tpu.memory_space<hbm>> -> memref<4194304xf32, #tpu.memory_space<hbm>>
    tpu.enqueue_indirect_dma source(%dma_start3A_62 : memref<4194304xf32, #tpu.memory_space<hbm>>) target(%arg17 : memref<2048xf32, #tpu.memory_space<vmem>>) offsets(%arg12 : memref<2048xi32, #tpu.memory_space<vmem>>) semaphore(%arg20 : memref<!tpu.dma_semaphore, #tpu.memory_space<semaphore_mem>>)
    %dma_start3A_63 = arith.constant 0 : i32
    %dma_start3A_64 = tpu.memref_slice %arg6[%dma_start3A_63] : memref<4194304xf32, #tpu.memory_space<hbm>> -> memref<4194304xf32, #tpu.memory_space<hbm>>
    tpu.enqueue_indirect_dma source(%dma_start3A_64 : memref<4194304xf32, #tpu.memory_space<hbm>>) target(%arg18 : memref<2048xf32, #tpu.memory_space<vmem>>) offsets(%arg12 : memref<2048xi32, #tpu.memory_space<vmem>>) semaphore(%arg20 : memref<!tpu.dma_semaphore, #tpu.memory_space<semaphore_mem>>)
    %dma_start3A_65 = arith.constant 0 : i32
    %dma_start3A_66 = tpu.memref_slice %arg7[%dma_start3A_65] : memref<4194304xf32, #tpu.memory_space<hbm>> -> memref<4194304xf32, #tpu.memory_space<hbm>>
    tpu.enqueue_indirect_dma source(%dma_start3A_66 : memref<4194304xf32, #tpu.memory_space<hbm>>) target(%arg19 : memref<2048xf32, #tpu.memory_space<vmem>>) offsets(%arg12 : memref<2048xi32, #tpu.memory_space<vmem>>) semaphore(%arg20 : memref<!tpu.dma_semaphore, #tpu.memory_space<semaphore_mem>>)
    %broadcast_in_dim3A = arith.constant 0.000000e+00 : f32
    %broadcast_in_dim3A_67 = vector.broadcast %broadcast_in_dim3A : f32 to vector<16xf32>
    %scan3A_68 = arith.constant 0 : i32
    %scan3A_69 = arith.constant 31 : i32
    %scan3A_70 = arith.addi %scan3A_68, %scan3A_69 : i32
    %scan3A_71 = arith.constant 1 : i32
    %scan3A_72 = scf.for %scan3A_132 = %scan3A_68 to %scan3A_70 step %scan3A_71 iter_args(%scan3A_133 = %broadcast_in_dim3A_67) -> (vector<16xf32>)  : i32 {
      %mul3A_134 = arith.constant 2 : i32
      %mul3A_135 = arith.muli %mul3A_134, %scan3A_132 : i32
      %add3A_136 = arith.constant 1 : i32
      %add3A_137 = arith.addi %mul3A_135, %add3A_136 : i32
      %jit3A_138 = arith.constant 8 : i32
      %div3A_139 = arith.divsi %add3A_137, %jit3A_138 : i32
      %sign3A_140 = arith.constant 0 : i32
      %sign3A_141 = arith.cmpi sgt, %add3A_137, %sign3A_140 : i32
      %sign3A_142 = arith.extui %sign3A_141 : i1 to i32
      %sign3A_143 = arith.constant 0 : i32
      %sign3A_144 = arith.cmpi slt, %add3A_137, %sign3A_143 : i32
      %sign3A_145 = arith.extui %sign3A_144 : i1 to i32
      %sign3A_146 = arith.subi %sign3A_142, %sign3A_145 : i32
      %sign3A_147 = arith.constant 0 : i32
      %sign3A_148 = arith.cmpi sgt, %jit3A_138, %sign3A_147 : i32
      %sign3A_149 = arith.extui %sign3A_148 : i1 to i32
      %sign3A_150 = arith.constant 0 : i32
      %sign3A_151 = arith.cmpi slt, %jit3A_138, %sign3A_150 : i32
      %sign3A_152 = arith.extui %sign3A_151 : i1 to i32
      %sign3A_153 = arith.subi %sign3A_149, %sign3A_152 : i32
      %ne3A_154 = arith.cmpi ne, %sign3A_146, %sign3A_153 : i32
      %rem3A_155 = arith.remsi %add3A_137, %jit3A_138 : i32
      %ne3A_156 = arith.constant 0 : i32
      %ne3A_157 = arith.cmpi ne, %rem3A_155, %ne3A_156 : i32
      %and3A_158 = arith.andi %ne3A_154, %ne3A_157 : i1
      %sub3A_159 = arith.constant 1 : i32
      %sub3A_160 = arith.subi %div3A_139, %sub3A_159 : i32
      %select_n3A_161 = arith.select %and3A_158, %sub3A_160, %div3A_139 : i32
      %jit3A_162 = arith.constant 8 : i32
      %eq3A_163 = arith.constant 0 : i32
      %eq3A_164 = arith.cmpi eq, %jit3A_162, %eq3A_163 : i32
      %jit3A_165 = arith.constant 1 : i32
      %select_n3A_166 = arith.select %eq3A_164, %jit3A_165, %jit3A_162 : i32
      %rem3A_167 = arith.remsi %add3A_137, %select_n3A_166 : i32
      %ne3A_168 = arith.constant 0 : i32
      %ne3A_169 = arith.cmpi ne, %rem3A_167, %ne3A_168 : i32
      %lt3A_170 = arith.constant 0 : i32
      %lt3A_171 = arith.cmpi slt, %rem3A_167, %lt3A_170 : i32
      %lt3A_172 = arith.constant 0 : i32
      %lt3A_173 = arith.cmpi slt, %select_n3A_166, %lt3A_172 : i32
      %ne3A_174 = arith.xori %lt3A_171, %lt3A_173 : i1
      %and3A_175 = arith.andi %ne3A_174, %ne3A_169 : i1
      %add3A_176 = arith.addi %rem3A_167, %select_n3A_166 : i32
      %select_n3A_177 = arith.select %and3A_175, %add3A_176, %rem3A_167 : i32
      %mul3A_178 = arith.constant 2048 : i32
      %mul3A_179 = arith.muli %select_n3A_177, %mul3A_178 : i32
      %mul3A_180 = arith.constant 4 : i32
      %mul3A_181 = arith.muli %select_n3A_161, %mul3A_180 : i32
      %mul3A_182 = arith.constant 16 : i32
      %mul3A_183 = arith.muli %mul3A_181, %mul3A_182 : i32
      %get3A_184 = arith.index_cast %mul3A_183 : i32 to index
      %get3A_185 = tpu.vector_load %arg10[%get3A_184] {strides = array<i32>} : memref<512xf32, #tpu.memory_space<vmem>>, vector<16xf32>,
      %get3A_186 = vector.shape_cast %get3A_185 : vector<16xf32> to vector<16xf32>
      %add3A_187 = arith.constant 16 : i32
      %add3A_188 = arith.addi %mul3A_183, %add3A_187 : i32
      %get3A_189 = arith.index_cast %add3A_188 : i32 to index
      %get3A_190 = tpu.vector_load %arg10[%get3A_189] {strides = array<i32>} : memref<512xf32, #tpu.memory_space<vmem>>, vector<16xf32>,
      %get3A_191 = vector.shape_cast %get3A_190 : vector<16xf32> to vector<16xf32>
      %add3A_192 = arith.constant 32 : i32
      %add3A_193 = arith.addi %mul3A_183, %add3A_192 : i32
      %get3A_194 = arith.index_cast %add3A_193 : i32 to index
      %get3A_195 = tpu.vector_load %arg10[%get3A_194] {strides = array<i32>} : memref<512xf32, #tpu.memory_space<vmem>>, vector<16xf32>,
      %get3A_196 = vector.shape_cast %get3A_195 : vector<16xf32> to vector<16xf32>
      %add3A_197 = arith.constant 48 : i32
      %add3A_198 = arith.addi %mul3A_183, %add3A_197 : i32
      %get3A_199 = arith.index_cast %add3A_198 : i32 to index
      %get3A_200 = tpu.vector_load %arg10[%get3A_199] {strides = array<i32>} : memref<512xf32, #tpu.memory_space<vmem>>, vector<16xf32>,
      %get3A_201 = vector.shape_cast %get3A_200 : vector<16xf32> to vector<16xf32>
      %scan3A_202 = arith.constant 0 : i32
      %scan3A_203 = arith.constant 0 : i32
      %scan3A_204 = arith.constant 128 : i32
      %scan3A_205 = arith.addi %scan3A_203, %scan3A_204 : i32
      %scan3A_206 = arith.constant 1 : i32
      scf.for %scan3A_326 = %scan3A_203 to %scan3A_205 step %scan3A_206  : i32 {
        %mul3A_327 = arith.constant 16 : i32
        %mul3A_328 = arith.muli %scan3A_326, %mul3A_327 : i32
        %add3A_329 = arith.addi %mul3A_179, %mul3A_328 : i32
        %get3A_330 = arith.index_cast %add3A_329 : i32 to index
        %get3A_331 = tpu.vector_load %arg9[%get3A_330] {strides = array<i32>} : memref<49152xf32, #tpu.memory_space<vmem>>, vector<16xf32>,
        %get3A_332 = vector.shape_cast %get3A_331 : vector<16xf32> to vector<16xf32>
        %add3A_333 = arith.constant 16384 : i32
        %add3A_334 = arith.addi %add3A_333, %add3A_329 : i32
        %get3A_335 = arith.index_cast %add3A_334 : i32 to index
        %get3A_336 = tpu.vector_load %arg9[%get3A_335] {strides = array<i32>} : memref<49152xf32, #tpu.memory_space<vmem>>, vector<16xf32>,
        %get3A_337 = vector.shape_cast %get3A_336 : vector<16xf32> to vector<16xf32>
        %add3A_338 = arith.constant 32768 : i32
        %add3A_339 = arith.addi %add3A_338, %add3A_329 : i32
        %get3A_340 = arith.index_cast %add3A_339 : i32 to index
        %get3A_341 = tpu.vector_load %arg9[%get3A_340] {strides = array<i32>} : memref<49152xf32, #tpu.memory_space<vmem>>, vector<16xf32>,
        %get3A_342 = vector.shape_cast %get3A_341 : vector<16xf32> to vector<16xf32>
        %mul3A_343 = arith.mulf %get3A_332, %get3A_186 : vector<16xf32>
        %mul3A_344 = arith.mulf %get3A_337, %get3A_191 : vector<16xf32>
        %add3A_345 = arith.addf %mul3A_343, %mul3A_344 : vector<16xf32>
        %mul3A_346 = arith.mulf %get3A_342, %get3A_196 : vector<16xf32>
        %add3A_347 = arith.addf %add3A_345, %mul3A_346 : vector<16xf32>
        %add3A_348 = arith.addf %add3A_347, %get3A_201 : vector<16xf32>
        %add3A_349 = arith.addf %add3A_348, %add3A_348 : vector<16xf32>
        %mul3A_350 = arith.mulf %add3A_349, %get3A_186 : vector<16xf32>
        %sub3A_351 = arith.subf %get3A_332, %mul3A_350 : vector<16xf32>
        %mul3A_352 = arith.mulf %add3A_349, %get3A_191 : vector<16xf32>
        %sub3A_353 = arith.subf %get3A_337, %mul3A_352 : vector<16xf32>
        %mul3A_354 = arith.mulf %add3A_349, %get3A_196 : vector<16xf32>
        %sub3A_355 = arith.subf %get3A_342, %mul3A_354 : vector<16xf32>
        %add3A_356 = arith.constant 5.000000e-01 : f32
        %add3A_357 = vector.broadcast %add3A_356 : f32 to vector<16xf32>
        %add3A_358 = arith.addf %sub3A_351, %add3A_357 : vector<16xf32>
        %mul3A_359 = arith.constant 6.400000e+01 : f32
        %mul3A_360 = vector.broadcast %mul3A_359 : f32 to vector<16xf32>
        %mul3A_361 = arith.mulf %add3A_358, %mul3A_360 : vector<16xf32>
        %convert_element_type3A = arith.fptosi %mul3A_361 : vector<16xf32> to vector<16xi32>
        %convert_element_type3A_362 = arith.sitofp %convert_element_type3A : vector<16xi32> to vector<16xf32>
        %gt3A = arith.cmpf ogt, %convert_element_type3A_362, %mul3A_361 : vector<16xf32>
        %sub3A_363 = arith.constant 1 : i32
        %sub3A_364 = vector.broadcast %sub3A_363 : i32 to vector<16xi32>
        %sub3A_365 = arith.subi %convert_element_type3A, %sub3A_364 : vector<16xi32>
        %select_n3A_366 = arith.select %gt3A, %sub3A_365, %convert_element_type3A : vector<16xi1>, vector<16xi32>
        %add3A_367 = arith.constant 5.000000e-01 : f32
        %add3A_368 = vector.broadcast %add3A_367 : f32 to vector<16xf32>
        %add3A_369 = arith.addf %sub3A_353, %add3A_368 : vector<16xf32>
        %mul3A_370 = arith.constant 6.400000e+01 : f32
        %mul3A_371 = vector.broadcast %mul3A_370 : f32 to vector<16xf32>
        %mul3A_372 = arith.mulf %add3A_369, %mul3A_371 : vector<16xf32>
        %convert_element_type3A_373 = arith.fptosi %mul3A_372 : vector<16xf32> to vector<16xi32>
        %convert_element_type3A_374 = arith.sitofp %convert_element_type3A_373 : vector<16xi32> to vector<16xf32>
        %gt3A_375 = arith.cmpf ogt, %convert_element_type3A_374, %mul3A_372 : vector<16xf32>
        %sub3A_376 = arith.constant 1 : i32
        %sub3A_377 = vector.broadcast %sub3A_376 : i32 to vector<16xi32>
        %sub3A_378 = arith.subi %convert_element_type3A_373, %sub3A_377 : vector<16xi32>
        %select_n3A_379 = arith.select %gt3A_375, %sub3A_378, %convert_element_type3A_373 : vector<16xi1>, vector<16xi32>
        %add3A_380 = arith.constant 5.000000e-01 : f32
        %add3A_381 = vector.broadcast %add3A_380 : f32 to vector<16xf32>
        %add3A_382 = arith.addf %sub3A_355, %add3A_381 : vector<16xf32>
        %mul3A_383 = arith.constant 6.400000e+01 : f32
        %mul3A_384 = vector.broadcast %mul3A_383 : f32 to vector<16xf32>
        %mul3A_385 = arith.mulf %add3A_382, %mul3A_384 : vector<16xf32>
        %convert_element_type3A_386 = arith.fptosi %mul3A_385 : vector<16xf32> to vector<16xi32>
        %convert_element_type3A_387 = arith.sitofp %convert_element_type3A_386 : vector<16xi32> to vector<16xf32>
        %gt3A_388 = arith.cmpf ogt, %convert_element_type3A_387, %mul3A_385 : vector<16xf32>
        %sub3A_389 = arith.constant 1 : i32
        %sub3A_390 = vector.broadcast %sub3A_389 : i32 to vector<16xi32>
        %sub3A_391 = arith.subi %convert_element_type3A_386, %sub3A_390 : vector<16xi32>
        %select_n3A_392 = arith.select %gt3A_388, %sub3A_391, %convert_element_type3A_386 : vector<16xi1>, vector<16xi32>
        %mul3A_393 = arith.constant 4096 : i32
        %mul3A_394 = vector.broadcast %mul3A_393 : i32 to vector<16xi32>
        %mul3A_395 = arith.muli %select_n3A_366, %mul3A_394 : vector<16xi32>
        %mul3A_396 = arith.constant 64 : i32
        %mul3A_397 = vector.broadcast %mul3A_396 : i32 to vector<16xi32>
        %mul3A_398 = arith.muli %select_n3A_379, %mul3A_397 : vector<16xi32>
        %add3A_399 = arith.addi %mul3A_395, %mul3A_398 : vector<16xi32>
        %add3A_400 = arith.addi %add3A_399, %select_n3A_392 : vector<16xi32>
        %jit3A_401 = arith.constant 0 : i32
        %jit3A_402 = arith.constant 262143 : i32
        %max3A = vector.broadcast %jit3A_401 : i32 to vector<16xi32>
        %max3A_403 = arith.maxsi %max3A, %add3A_400 : vector<16xi32>
        %min3A = vector.broadcast %jit3A_402 : i32 to vector<16xi32>
        %min3A_404 = arith.minsi %min3A, %max3A_403 : vector<16xi32>
        %mul3A_405 = arith.constant 16 : i32
        %mul3A_406 = arith.muli %scan3A_326, %mul3A_405 : i32
        %mul3A_407 = arith.constant 262144 : i32
        %mul3A_408 = arith.muli %select_n3A, %mul3A_407 : i32
        %add3A_409 = vector.broadcast %mul3A_408 : i32 to vector<16xi32>
        %add3A_410 = arith.addi %min3A_404, %add3A_409 : vector<16xi32>
        %swap3A_411 = arith.index_cast %mul3A_406 : i32 to index
        %swap3A_412 = tpu.vector_load %arg21[%swap3A_411] {strides = array<i32>} : memref<2048xi32, #tpu.memory_space<vmem>>, vector<16xi32>,
        %swap3A_413 = vector.shape_cast %swap3A_412 : vector<16xi32> to vector<16xi32>
        %swap3A_414 = vector.shape_cast %add3A_410 : vector<16xi32> to vector<16xi32>
        tpu.vector_store %arg21[%swap3A_411], %swap3A_414 {strides = array<i32>} : memref<2048xi32, #tpu.memory_space<vmem>>, vector<16xi32>,
        %swap3A_415 = arith.index_cast %mul3A_406 : i32 to index
        %swap3A_416 = tpu.vector_load %arg22[%swap3A_415] {strides = array<i32>} : memref<2048xf32, #tpu.memory_space<vmem>>, vector<16xf32>,
        %swap3A_417 = vector.shape_cast %swap3A_416 : vector<16xf32> to vector<16xf32>
        %swap3A_418 = vector.shape_cast %sub3A_351 : vector<16xf32> to vector<16xf32>
        tpu.vector_store %arg22[%swap3A_415], %swap3A_418 {strides = array<i32>} : memref<2048xf32, #tpu.memory_space<vmem>>, vector<16xf32>,
        %swap3A_419 = arith.index_cast %mul3A_406 : i32 to index
        %swap3A_420 = tpu.vector_load %arg23[%swap3A_419] {strides = array<i32>} : memref<2048xf32, #tpu.memory_space<vmem>>, vector<16xf32>,
        %swap3A_421 = vector.shape_cast %swap3A_420 : vector<16xf32> to vector<16xf32>
        %swap3A_422 = vector.shape_cast %sub3A_353 : vector<16xf32> to vector<16xf32>
        tpu.vector_store %arg23[%swap3A_419], %swap3A_422 {strides = array<i32>} : memref<2048xf32, #tpu.memory_space<vmem>>, vector<16xf32>,
        %swap3A_423 = arith.index_cast %mul3A_406 : i32 to index
        %swap3A_424 = tpu.vector_load %arg24[%swap3A_423] {strides = array<i32>} : memref<2048xf32, #tpu.memory_space<vmem>>, vector<16xf32>,
        %swap3A_425 = vector.shape_cast %swap3A_424 : vector<16xf32> to vector<16xf32>
        %swap3A_426 = vector.shape_cast %sub3A_355 : vector<16xf32> to vector<16xf32>
        tpu.vector_store %arg24[%swap3A_423], %swap3A_426 {strides = array<i32>} : memref<2048xf32, #tpu.memory_space<vmem>>, vector<16xf32>,
      }
      %scan3A_207 = arith.constant 128 : i32
      %dma_start3A_208 = arith.constant 0 : i32
      %dma_start3A_209 = tpu.memref_slice %arg4[%dma_start3A_208] : memref<4194304xf32, #tpu.memory_space<hbm>> -> memref<4194304xf32, #tpu.memory_space<hbm>>
      tpu.enqueue_indirect_dma source(%dma_start3A_209 : memref<4194304xf32, #tpu.memory_space<hbm>>) target(%arg25 : memref<2048xf32, #tpu.memory_space<vmem>>) offsets(%arg21 : memref<2048xi32, #tpu.memory_space<vmem>>) semaphore(%arg29 : memref<!tpu.dma_semaphore, #tpu.memory_space<semaphore_mem>>)
      %dma_start3A_210 = arith.constant 0 : i32
      %dma_start3A_211 = tpu.memref_slice %arg5[%dma_start3A_210] : memref<4194304xf32, #tpu.memory_space<hbm>> -> memref<4194304xf32, #tpu.memory_space<hbm>>
      tpu.enqueue_indirect_dma source(%dma_start3A_211 : memref<4194304xf32, #tpu.memory_space<hbm>>) target(%arg26 : memref<2048xf32, #tpu.memory_space<vmem>>) offsets(%arg21 : memref<2048xi32, #tpu.memory_space<vmem>>) semaphore(%arg29 : memref<!tpu.dma_semaphore, #tpu.memory_space<semaphore_mem>>)
      %dma_start3A_212 = arith.constant 0 : i32
      %dma_start3A_213 = tpu.memref_slice %arg6[%dma_start3A_212] : memref<4194304xf32, #tpu.memory_space<hbm>> -> memref<4194304xf32, #tpu.memory_space<hbm>>
      tpu.enqueue_indirect_dma source(%dma_start3A_213 : memref<4194304xf32, #tpu.memory_space<hbm>>) target(%arg27 : memref<2048xf32, #tpu.memory_space<vmem>>) offsets(%arg21 : memref<2048xi32, #tpu.memory_space<vmem>>) semaphore(%arg29 : memref<!tpu.dma_semaphore, #tpu.memory_space<semaphore_mem>>)
      %dma_start3A_214 = arith.constant 0 : i32
      %dma_start3A_215 = tpu.memref_slice %arg7[%dma_start3A_214] : memref<4194304xf32, #tpu.memory_space<hbm>> -> memref<4194304xf32, #tpu.memory_space<hbm>>
      tpu.enqueue_indirect_dma source(%dma_start3A_215 : memref<4194304xf32, #tpu.memory_space<hbm>>) target(%arg28 : memref<2048xf32, #tpu.memory_space<vmem>>) offsets(%arg21 : memref<2048xi32, #tpu.memory_space<vmem>>) semaphore(%arg29 : memref<!tpu.dma_semaphore, #tpu.memory_space<semaphore_mem>>)
      %dma_wait3A_216 = arith.constant 0 : i32
      %dma_wait3A_217 = tpu.memref_slice %arg4[%dma_wait3A_216] : memref<4194304xf32, #tpu.memory_space<hbm>> -> memref<4194304xf32, #tpu.memory_space<hbm>>
      tpu.wait_indirect_dma semaphore(%arg20 : memref<!tpu.dma_semaphore, #tpu.memory_space<semaphore_mem>>) src(%dma_wait3A_217 : memref<4194304xf32, #tpu.memory_space<hbm>>) dst(%arg16 : memref<2048xf32, #tpu.memory_space<vmem>>)
      %dma_wait3A_218 = arith.constant 0 : i32
      %dma_wait3A_219 = tpu.memref_slice %arg5[%dma_wait3A_218] : memref<4194304xf32, #tpu.memory_space<hbm>> -> memref<4194304xf32, #tpu.memory_space<hbm>>
      tpu.wait_indirect_dma semaphore(%arg20 : memref<!tpu.dma_semaphore, #tpu.memory_space<semaphore_mem>>) src(%dma_wait3A_219 : memref<4194304xf32, #tpu.memory_space<hbm>>) dst(%arg17 : memref<2048xf32, #tpu.memory_space<vmem>>)
      %dma_wait3A_220 = arith.constant 0 : i32
      %dma_wait3A_221 = tpu.memref_slice %arg6[%dma_wait3A_220] : memref<4194304xf32, #tpu.memory_space<hbm>> -> memref<4194304xf32, #tpu.memory_space<hbm>>
      tpu.wait_indirect_dma semaphore(%arg20 : memref<!tpu.dma_semaphore, #tpu.memory_space<semaphore_mem>>) src(%dma_wait3A_221 : memref<4194304xf32, #tpu.memory_space<hbm>>) dst(%arg18 : memref<2048xf32, #tpu.memory_space<vmem>>)
      %dma_wait3A_222 = arith.constant 0 : i32
      %dma_wait3A_223 = tpu.memref_slice %arg7[%dma_wait3A_222] : memref<4194304xf32, #tpu.memory_space<hbm>> -> memref<4194304xf32, #tpu.memory_space<hbm>>
      tpu.wait_indirect_dma semaphore(%arg20 : memref<!tpu.dma_semaphore, #tpu.memory_space<semaphore_mem>>) src(%dma_wait3A_223 : memref<4194304xf32, #tpu.memory_space<hbm>>) dst(%arg19 : memref<2048xf32, #tpu.memory_space<vmem>>)
      %scan3A_224 = arith.constant 0 : i32
      %scan3A_225 = arith.constant 128 : i32
      %scan3A_226 = arith.addi %scan3A_224, %scan3A_225 : i32
      %scan3A_227 = arith.constant 1 : i32
      %scan3A_228 = scf.for %scan3A_326 = %scan3A_224 to %scan3A_226 step %scan3A_227 iter_args(%scan3A_327 = %scan3A_133) -> (vector<16xf32>)  : i32 {
        %mul3A_328 = arith.constant 16 : i32
        %mul3A_329 = arith.muli %scan3A_326, %mul3A_328 : i32
        %get3A_330 = arith.index_cast %mul3A_329 : i32 to index
        %get3A_331 = tpu.vector_load %arg13[%get3A_330] {strides = array<i32>} : memref<2048xf32, #tpu.memory_space<vmem>>, vector<16xf32>,
        %get3A_332 = vector.shape_cast %get3A_331 : vector<16xf32> to vector<16xf32>
        %get3A_333 = arith.index_cast %mul3A_329 : i32 to index
        %get3A_334 = tpu.vector_load %arg16[%get3A_333] {strides = array<i32>} : memref<2048xf32, #tpu.memory_space<vmem>>, vector<16xf32>,
        %get3A_335 = vector.shape_cast %get3A_334 : vector<16xf32> to vector<16xf32>
        %sub3A_336 = arith.subf %get3A_332, %get3A_335 : vector<16xf32>
        %get3A_337 = arith.index_cast %mul3A_329 : i32 to index
        %get3A_338 = tpu.vector_load %arg14[%get3A_337] {strides = array<i32>} : memref<2048xf32, #tpu.memory_space<vmem>>, vector<16xf32>,
        %get3A_339 = vector.shape_cast %get3A_338 : vector<16xf32> to vector<16xf32>
        %get3A_340 = arith.index_cast %mul3A_329 : i32 to index
        %get3A_341 = tpu.vector_load %arg17[%get3A_340] {strides = array<i32>} : memref<2048xf32, #tpu.memory_space<vmem>>, vector<16xf32>,
        %get3A_342 = vector.shape_cast %get3A_341 : vector<16xf32> to vector<16xf32>
        %sub3A_343 = arith.subf %get3A_339, %get3A_342 : vector<16xf32>
        %get3A_344 = arith.index_cast %mul3A_329 : i32 to index
        %get3A_345 = tpu.vector_load %arg15[%get3A_344] {strides = array<i32>} : memref<2048xf32, #tpu.memory_space<vmem>>, vector<16xf32>,
        %get3A_346 = vector.shape_cast %get3A_345 : vector<16xf32> to vector<16xf32>
        %get3A_347 = arith.index_cast %mul3A_329 : i32 to index
        %get3A_348 = tpu.vector_load %arg18[%get3A_347] {strides = array<i32>} : memref<2048xf32, #tpu.memory_space<vmem>>, vector<16xf32>,
        %get3A_349 = vector.shape_cast %get3A_348 : vector<16xf32> to vector<16xf32>
        %sub3A_350 = arith.subf %get3A_346, %get3A_349 : vector<16xf32>
        %get3A_351 = arith.index_cast %mul3A_329 : i32 to index
        %get3A_352 = tpu.vector_load %arg19[%get3A_351] {strides = array<i32>} : memref<2048xf32, #tpu.memory_space<vmem>>, vector<16xf32>,
        %get3A_353 = vector.shape_cast %get3A_352 : vector<16xf32> to vector<16xf32>
        %sub3A_354 = arith.constant 1.000000e+00 : f32
        %sub3A_355 = vector.broadcast %sub3A_354 : f32 to vector<16xf32>
        %sub3A_356 = arith.subf %sub3A_355, %get3A_353 : vector<16xf32>
        %mul3A_357 = arith.mulf %sub3A_336, %sub3A_336 : vector<16xf32>
        %mul3A_358 = arith.mulf %sub3A_343, %sub3A_343 : vector<16xf32>
        %add3A_359 = arith.addf %mul3A_357, %mul3A_358 : vector<16xf32>
        %mul3A_360 = arith.mulf %sub3A_350, %sub3A_350 : vector<16xf32>
        %add3A_361 = arith.addf %add3A_359, %mul3A_360 : vector<16xf32>
        %mul3A_362 = arith.mulf %sub3A_356, %sub3A_356 : vector<16xf32>
        %mul3A_363 = arith.mulf %add3A_361, %mul3A_362 : vector<16xf32>
        %add3A_364 = arith.addf %scan3A_327, %mul3A_363 : vector<16xf32>
        scf.yield %add3A_364 : vector<16xf32>
      }
      %scan3A_229 = arith.constant 128 : i32
      %mul3A_230 = arith.constant 2 : i32
      %mul3A_231 = arith.muli %mul3A_230, %scan3A_132 : i32
      %add3A_232 = arith.constant 2 : i32
      %add3A_233 = arith.addi %mul3A_231, %add3A_232 : i32
      %jit3A_234 = arith.constant 8 : i32
      %div3A_235 = arith.divsi %add3A_233, %jit3A_234 : i32
      %sign3A_236 = arith.constant 0 : i32
      %sign3A_237 = arith.cmpi sgt, %add3A_233, %sign3A_236 : i32
      %sign3A_238 = arith.extui %sign3A_237 : i1 to i32
      %sign3A_239 = arith.constant 0 : i32
      %sign3A_240 = arith.cmpi slt, %add3A_233, %sign3A_239 : i32
      %sign3A_241 = arith.extui %sign3A_240 : i1 to i32
      %sign3A_242 = arith.subi %sign3A_238, %sign3A_241 : i32
      %sign3A_243 = arith.constant 0 : i32
      %sign3A_244 = arith.cmpi sgt, %jit3A_234, %sign3A_243 : i32
      %sign3A_245 = arith.extui %sign3A_244 : i1 to i32
      %sign3A_246 = arith.constant 0 : i32
      %sign3A_247 = arith.cmpi slt, %jit3A_234, %sign3A_246 : i32
      %sign3A_248 = arith.extui %sign3A_247 : i1 to i32
      %sign3A_249 = arith.subi %sign3A_245, %sign3A_248 : i32
      %ne3A_250 = arith.cmpi ne, %sign3A_242, %sign3A_249 : i32
      %rem3A_251 = arith.remsi %add3A_233, %jit3A_234 : i32
      %ne3A_252 = arith.constant 0 : i32
      %ne3A_253 = arith.cmpi ne, %rem3A_251, %ne3A_252 : i32
      %and3A_254 = arith.andi %ne3A_250, %ne3A_253 : i1
      %sub3A_255 = arith.constant 1 : i32
      %sub3A_256 = arith.subi %div3A_235, %sub3A_255 : i32
      %select_n3A_257 = arith.select %and3A_254, %sub3A_256, %div3A_235 : i32
      %jit3A_258 = arith.constant 8 : i32
      %eq3A_259 = arith.constant 0 : i32
      %eq3A_260 = arith.cmpi eq, %jit3A_258, %eq3A_259 : i32
      %jit3A_261 = arith.constant 1 : i32
      %select_n3A_262 = arith.select %eq3A_260, %jit3A_261, %jit3A_258 : i32
      %rem3A_263 = arith.remsi %add3A_233, %select_n3A_262 : i32
      %ne3A_264 = arith.constant 0 : i32
      %ne3A_265 = arith.cmpi ne, %rem3A_263, %ne3A_264 : i32
      %lt3A_266 = arith.constant 0 : i32
      %lt3A_267 = arith.cmpi slt, %rem3A_263, %lt3A_266 : i32
      %lt3A_268 = arith.constant 0 : i32
      %lt3A_269 = arith.cmpi slt, %select_n3A_262, %lt3A_268 : i32
      %ne3A_270 = arith.xori %lt3A_267, %lt3A_269 : i1
      %and3A_271 = arith.andi %ne3A_270, %ne3A_265 : i1
      %add3A_272 = arith.addi %rem3A_263, %select_n3A_262 : i32
      %select_n3A_273 = arith.select %and3A_271, %add3A_272, %rem3A_263 : i32
      %mul3A_274 = arith.constant 2048 : i32
      %mul3A_275 = arith.muli %select_n3A_273, %mul3A_274 : i32
      %mul3A_276 = arith.constant 4 : i32
      %mul3A_277 = arith.muli %select_n3A_257, %mul3A_276 : i32
      %mul3A_278 = arith.constant 16 : i32
      %mul3A_279 = arith.muli %mul3A_277, %mul3A_278 : i32
      %get3A_280 = arith.index_cast %mul3A_279 : i32 to index
      %get3A_281 = tpu.vector_load %arg10[%get3A_280] {strides = array<i32>} : memref<512xf32, #tpu.memory_space<vmem>>, vector<16xf32>,
      %get3A_282 = vector.shape_cast %get3A_281 : vector<16xf32> to vector<16xf32>
      %add3A_283 = arith.constant 16 : i32
      %add3A_284 = arith.addi %mul3A_279, %add3A_283 : i32
      %get3A_285 = arith.index_cast %add3A_284 : i32 to index
      %get3A_286 = tpu.vector_load %arg10[%get3A_285] {strides = array<i32>} : memref<512xf32, #tpu.memory_space<vmem>>, vector<16xf32>,
      %get3A_287 = vector.shape_cast %get3A_286 : vector<16xf32> to vector<16xf32>
      %add3A_288 = arith.constant 32 : i32
      %add3A_289 = arith.addi %mul3A_279, %add3A_288 : i32
      %get3A_290 = arith.index_cast %add3A_289 : i32 to index
      %get3A_291 = tpu.vector_load %arg10[%get3A_290] {strides = array<i32>} : memref<512xf32, #tpu.memory_space<vmem>>, vector<16xf32>,
      %get3A_292 = vector.shape_cast %get3A_291 : vector<16xf32> to vector<16xf32>
      %add3A_293 = arith.constant 48 : i32
      %add3A_294 = arith.addi %mul3A_279, %add3A_293 : i32
      %get3A_295 = arith.index_cast %add3A_294 : i32 to index
      %get3A_296 = tpu.vector_load %arg10[%get3A_295] {strides = array<i32>} : memref<512xf32, #tpu.memory_space<vmem>>, vector<16xf32>,
      %get3A_297 = vector.shape_cast %get3A_296 : vector<16xf32> to vector<16xf32>
      %scan3A_298 = arith.constant 0 : i32
      %scan3A_299 = arith.constant 0 : i32
      %scan3A_300 = arith.constant 128 : i32
      %scan3A_301 = arith.addi %scan3A_299, %scan3A_300 : i32
      %scan3A_302 = arith.constant 1 : i32
      scf.for %scan3A_326 = %scan3A_299 to %scan3A_301 step %scan3A_302  : i32 {
        %mul3A_327 = arith.constant 16 : i32
        %mul3A_328 = arith.muli %scan3A_326, %mul3A_327 : i32
        %add3A_329 = arith.addi %mul3A_275, %mul3A_328 : i32
        %get3A_330 = arith.index_cast %add3A_329 : i32 to index
        %get3A_331 = tpu.vector_load %arg9[%get3A_330] {strides = array<i32>} : memref<49152xf32, #tpu.memory_space<vmem>>, vector<16xf32>,
        %get3A_332 = vector.shape_cast %get3A_331 : vector<16xf32> to vector<16xf32>
        %add3A_333 = arith.constant 16384 : i32
        %add3A_334 = arith.addi %add3A_333, %add3A_329 : i32
        %get3A_335 = arith.index_cast %add3A_334 : i32 to index
        %get3A_336 = tpu.vector_load %arg9[%get3A_335] {strides = array<i32>} : memref<49152xf32, #tpu.memory_space<vmem>>, vector<16xf32>,
        %get3A_337 = vector.shape_cast %get3A_336 : vector<16xf32> to vector<16xf32>
        %add3A_338 = arith.constant 32768 : i32
        %add3A_339 = arith.addi %add3A_338, %add3A_329 : i32
        %get3A_340 = arith.index_cast %add3A_339 : i32 to index
        %get3A_341 = tpu.vector_load %arg9[%get3A_340] {strides = array<i32>} : memref<49152xf32, #tpu.memory_space<vmem>>, vector<16xf32>,
        %get3A_342 = vector.shape_cast %get3A_341 : vector<16xf32> to vector<16xf32>
        %mul3A_343 = arith.mulf %get3A_332, %get3A_282 : vector<16xf32>
        %mul3A_344 = arith.mulf %get3A_337, %get3A_287 : vector<16xf32>
        %add3A_345 = arith.addf %mul3A_343, %mul3A_344 : vector<16xf32>
        %mul3A_346 = arith.mulf %get3A_342, %get3A_292 : vector<16xf32>
        %add3A_347 = arith.addf %add3A_345, %mul3A_346 : vector<16xf32>
        %add3A_348 = arith.addf %add3A_347, %get3A_297 : vector<16xf32>
        %add3A_349 = arith.addf %add3A_348, %add3A_348 : vector<16xf32>
        %mul3A_350 = arith.mulf %add3A_349, %get3A_282 : vector<16xf32>
        %sub3A_351 = arith.subf %get3A_332, %mul3A_350 : vector<16xf32>
        %mul3A_352 = arith.mulf %add3A_349, %get3A_287 : vector<16xf32>
        %sub3A_353 = arith.subf %get3A_337, %mul3A_352 : vector<16xf32>
        %mul3A_354 = arith.mulf %add3A_349, %get3A_292 : vector<16xf32>
        %sub3A_355 = arith.subf %get3A_342, %mul3A_354 : vector<16xf32>
        %add3A_356 = arith.constant 5.000000e-01 : f32
        %add3A_357 = vector.broadcast %add3A_356 : f32 to vector<16xf32>
        %add3A_358 = arith.addf %sub3A_351, %add3A_357 : vector<16xf32>
        %mul3A_359 = arith.constant 6.400000e+01 : f32
        %mul3A_360 = vector.broadcast %mul3A_359 : f32 to vector<16xf32>
        %mul3A_361 = arith.mulf %add3A_358, %mul3A_360 : vector<16xf32>
        %convert_element_type3A = arith.fptosi %mul3A_361 : vector<16xf32> to vector<16xi32>
        %convert_element_type3A_362 = arith.sitofp %convert_element_type3A : vector<16xi32> to vector<16xf32>
        %gt3A = arith.cmpf ogt, %convert_element_type3A_362, %mul3A_361 : vector<16xf32>
        %sub3A_363 = arith.constant 1 : i32
        %sub3A_364 = vector.broadcast %sub3A_363 : i32 to vector<16xi32>
        %sub3A_365 = arith.subi %convert_element_type3A, %sub3A_364 : vector<16xi32>
        %select_n3A_366 = arith.select %gt3A, %sub3A_365, %convert_element_type3A : vector<16xi1>, vector<16xi32>
        %add3A_367 = arith.constant 5.000000e-01 : f32
        %add3A_368 = vector.broadcast %add3A_367 : f32 to vector<16xf32>
        %add3A_369 = arith.addf %sub3A_353, %add3A_368 : vector<16xf32>
        %mul3A_370 = arith.constant 6.400000e+01 : f32
        %mul3A_371 = vector.broadcast %mul3A_370 : f32 to vector<16xf32>
        %mul3A_372 = arith.mulf %add3A_369, %mul3A_371 : vector<16xf32>
        %convert_element_type3A_373 = arith.fptosi %mul3A_372 : vector<16xf32> to vector<16xi32>
        %convert_element_type3A_374 = arith.sitofp %convert_element_type3A_373 : vector<16xi32> to vector<16xf32>
        %gt3A_375 = arith.cmpf ogt, %convert_element_type3A_374, %mul3A_372 : vector<16xf32>
        %sub3A_376 = arith.constant 1 : i32
        %sub3A_377 = vector.broadcast %sub3A_376 : i32 to vector<16xi32>
        %sub3A_378 = arith.subi %convert_element_type3A_373, %sub3A_377 : vector<16xi32>
        %select_n3A_379 = arith.select %gt3A_375, %sub3A_378, %convert_element_type3A_373 : vector<16xi1>, vector<16xi32>
        %add3A_380 = arith.constant 5.000000e-01 : f32
        %add3A_381 = vector.broadcast %add3A_380 : f32 to vector<16xf32>
        %add3A_382 = arith.addf %sub3A_355, %add3A_381 : vector<16xf32>
        %mul3A_383 = arith.constant 6.400000e+01 : f32
        %mul3A_384 = vector.broadcast %mul3A_383 : f32 to vector<16xf32>
        %mul3A_385 = arith.mulf %add3A_382, %mul3A_384 : vector<16xf32>
        %convert_element_type3A_386 = arith.fptosi %mul3A_385 : vector<16xf32> to vector<16xi32>
        %convert_element_type3A_387 = arith.sitofp %convert_element_type3A_386 : vector<16xi32> to vector<16xf32>
        %gt3A_388 = arith.cmpf ogt, %convert_element_type3A_387, %mul3A_385 : vector<16xf32>
        %sub3A_389 = arith.constant 1 : i32
        %sub3A_390 = vector.broadcast %sub3A_389 : i32 to vector<16xi32>
        %sub3A_391 = arith.subi %convert_element_type3A_386, %sub3A_390 : vector<16xi32>
        %select_n3A_392 = arith.select %gt3A_388, %sub3A_391, %convert_element_type3A_386 : vector<16xi1>, vector<16xi32>
        %mul3A_393 = arith.constant 4096 : i32
        %mul3A_394 = vector.broadcast %mul3A_393 : i32 to vector<16xi32>
        %mul3A_395 = arith.muli %select_n3A_366, %mul3A_394 : vector<16xi32>
        %mul3A_396 = arith.constant 64 : i32
        %mul3A_397 = vector.broadcast %mul3A_396 : i32 to vector<16xi32>
        %mul3A_398 = arith.muli %select_n3A_379, %mul3A_397 : vector<16xi32>
        %add3A_399 = arith.addi %mul3A_395, %mul3A_398 : vector<16xi32>
        %add3A_400 = arith.addi %add3A_399, %select_n3A_392 : vector<16xi32>
        %jit3A_401 = arith.constant 0 : i32
        %jit3A_402 = arith.constant 262143 : i32
        %max3A = vector.broadcast %jit3A_401 : i32 to vector<16xi32>
        %max3A_403 = arith.maxsi %max3A, %add3A_400 : vector<16xi32>
        %min3A = vector.broadcast %jit3A_402 : i32 to vector<16xi32>
        %min3A_404 = arith.minsi %min3A, %max3A_403 : vector<16xi32>
        %mul3A_405 = arith.constant 16 : i32
        %mul3A_406 = arith.muli %scan3A_326, %mul3A_405 : i32
        %mul3A_407 = arith.constant 262144 : i32
        %mul3A_408 = arith.muli %select_n3A, %mul3A_407 : i32
        %add3A_409 = vector.broadcast %mul3A_408 : i32 to vector<16xi32>
        %add3A_410 = arith.addi %min3A_404, %add3A_409 : vector<16xi32>
        %swap3A_411 = arith.index_cast %mul3A_406 : i32 to index
        %swap3A_412 = tpu.vector_load %arg12[%swap3A_411] {strides = array<i32>} : memref<2048xi32, #tpu.memory_space<vmem>>, vector<16xi32>,
        %swap3A_413 = vector.shape_cast %swap3A_412 : vector<16xi32> to vector<16xi32>
        %swap3A_414 = vector.shape_cast %add3A_410 : vector<16xi32> to vector<16xi32>
        tpu.vector_store %arg12[%swap3A_411], %swap3A_414 {strides = array<i32>} : memref<2048xi32, #tpu.memory_space<vmem>>, vector<16xi32>,
        %swap3A_415 = arith.index_cast %mul3A_406 : i32 to index
        %swap3A_416 = tpu.vector_load %arg13[%swap3A_415] {strides = array<i32>} : memref<2048xf32, #tpu.memory_space<vmem>>, vector<16xf32>,
        %swap3A_417 = vector.shape_cast %swap3A_416 : vector<16xf32> to vector<16xf32>
        %swap3A_418 = vector.shape_cast %sub3A_351 : vector<16xf32> to vector<16xf32>
        tpu.vector_store %arg13[%swap3A_415], %swap3A_418 {strides = array<i32>} : memref<2048xf32, #tpu.memory_space<vmem>>, vector<16xf32>,
        %swap3A_419 = arith.index_cast %mul3A_406 : i32 to index
        %swap3A_420 = tpu.vector_load %arg14[%swap3A_419] {strides = array<i32>} : memref<2048xf32, #tpu.memory_space<vmem>>, vector<16xf32>,
        %swap3A_421 = vector.shape_cast %swap3A_420 : vector<16xf32> to vector<16xf32>
        %swap3A_422 = vector.shape_cast %sub3A_353 : vector<16xf32> to vector<16xf32>
        tpu.vector_store %arg14[%swap3A_419], %swap3A_422 {strides = array<i32>} : memref<2048xf32, #tpu.memory_space<vmem>>, vector<16xf32>,
        %swap3A_423 = arith.index_cast %mul3A_406 : i32 to index
        %swap3A_424 = tpu.vector_load %arg15[%swap3A_423] {strides = array<i32>} : memref<2048xf32, #tpu.memory_space<vmem>>, vector<16xf32>,
        %swap3A_425 = vector.shape_cast %swap3A_424 : vector<16xf32> to vector<16xf32>
        %swap3A_426 = vector.shape_cast %sub3A_355 : vector<16xf32> to vector<16xf32>
        tpu.vector_store %arg15[%swap3A_423], %swap3A_426 {strides = array<i32>} : memref<2048xf32, #tpu.memory_space<vmem>>, vector<16xf32>,
      }
      %scan3A_303 = arith.constant 128 : i32
      %dma_start3A_304 = arith.constant 0 : i32
      %dma_start3A_305 = tpu.memref_slice %arg4[%dma_start3A_304] : memref<4194304xf32, #tpu.memory_space<hbm>> -> memref<4194304xf32, #tpu.memory_space<hbm>>
      tpu.enqueue_indirect_dma source(%dma_start3A_305 : memref<4194304xf32, #tpu.memory_space<hbm>>) target(%arg16 : memref<2048xf32, #tpu.memory_space<vmem>>) offsets(%arg12 : memref<2048xi32, #tpu.memory_space<vmem>>) semaphore(%arg20 : memref<!tpu.dma_semaphore, #tpu.memory_space<semaphore_mem>>)
      %dma_start3A_306 = arith.constant 0 : i32
      %dma_start3A_307 = tpu.memref_slice %arg5[%dma_start3A_306] : memref<4194304xf32, #tpu.memory_space<hbm>> -> memref<4194304xf32, #tpu.memory_space<hbm>>
      tpu.enqueue_indirect_dma source(%dma_start3A_307 : memref<4194304xf32, #tpu.memory_space<hbm>>) target(%arg17 : memref<2048xf32, #tpu.memory_space<vmem>>) offsets(%arg12 : memref<2048xi32, #tpu.memory_space<vmem>>) semaphore(%arg20 : memref<!tpu.dma_semaphore, #tpu.memory_space<semaphore_mem>>)
      %dma_start3A_308 = arith.constant 0 : i32
      %dma_start3A_309 = tpu.memref_slice %arg6[%dma_start3A_308] : memref<4194304xf32, #tpu.memory_space<hbm>> -> memref<4194304xf32, #tpu.memory_space<hbm>>
      tpu.enqueue_indirect_dma source(%dma_start3A_309 : memref<4194304xf32, #tpu.memory_space<hbm>>) target(%arg18 : memref<2048xf32, #tpu.memory_space<vmem>>) offsets(%arg12 : memref<2048xi32, #tpu.memory_space<vmem>>) semaphore(%arg20 : memref<!tpu.dma_semaphore, #tpu.memory_space<semaphore_mem>>)
      %dma_start3A_310 = arith.constant 0 : i32
      %dma_start3A_311 = tpu.memref_slice %arg7[%dma_start3A_310] : memref<4194304xf32, #tpu.memory_space<hbm>> -> memref<4194304xf32, #tpu.memory_space<hbm>>
      tpu.enqueue_indirect_dma source(%dma_start3A_311 : memref<4194304xf32, #tpu.memory_space<hbm>>) target(%arg19 : memref<2048xf32, #tpu.memory_space<vmem>>) offsets(%arg12 : memref<2048xi32, #tpu.memory_space<vmem>>) semaphore(%arg20 : memref<!tpu.dma_semaphore, #tpu.memory_space<semaphore_mem>>)
      %dma_wait3A_312 = arith.constant 0 : i32
      %dma_wait3A_313 = tpu.memref_slice %arg4[%dma_wait3A_312] : memref<4194304xf32, #tpu.memory_space<hbm>> -> memref<4194304xf32, #tpu.memory_space<hbm>>
      tpu.wait_indirect_dma semaphore(%arg29 : memref<!tpu.dma_semaphore, #tpu.memory_space<semaphore_mem>>) src(%dma_wait3A_313 : memref<4194304xf32, #tpu.memory_space<hbm>>) dst(%arg25 : memref<2048xf32, #tpu.memory_space<vmem>>)
      %dma_wait3A_314 = arith.constant 0 : i32
      %dma_wait3A_315 = tpu.memref_slice %arg5[%dma_wait3A_314] : memref<4194304xf32, #tpu.memory_space<hbm>> -> memref<4194304xf32, #tpu.memory_space<hbm>>
      tpu.wait_indirect_dma semaphore(%arg29 : memref<!tpu.dma_semaphore, #tpu.memory_space<semaphore_mem>>) src(%dma_wait3A_315 : memref<4194304xf32, #tpu.memory_space<hbm>>) dst(%arg26 : memref<2048xf32, #tpu.memory_space<vmem>>)
      %dma_wait3A_316 = arith.constant 0 : i32
      %dma_wait3A_317 = tpu.memref_slice %arg6[%dma_wait3A_316] : memref<4194304xf32, #tpu.memory_space<hbm>> -> memref<4194304xf32, #tpu.memory_space<hbm>>
      tpu.wait_indirect_dma semaphore(%arg29 : memref<!tpu.dma_semaphore, #tpu.memory_space<semaphore_mem>>) src(%dma_wait3A_317 : memref<4194304xf32, #tpu.memory_space<hbm>>) dst(%arg27 : memref<2048xf32, #tpu.memory_space<vmem>>)
      %dma_wait3A_318 = arith.constant 0 : i32
      %dma_wait3A_319 = tpu.memref_slice %arg7[%dma_wait3A_318] : memref<4194304xf32, #tpu.memory_space<hbm>> -> memref<4194304xf32, #tpu.memory_space<hbm>>
      tpu.wait_indirect_dma semaphore(%arg29 : memref<!tpu.dma_semaphore, #tpu.memory_space<semaphore_mem>>) src(%dma_wait3A_319 : memref<4194304xf32, #tpu.memory_space<hbm>>) dst(%arg28 : memref<2048xf32, #tpu.memory_space<vmem>>)
      %scan3A_320 = arith.constant 0 : i32
      %scan3A_321 = arith.constant 128 : i32
      %scan3A_322 = arith.addi %scan3A_320, %scan3A_321 : i32
      %scan3A_323 = arith.constant 1 : i32
      %scan3A_324 = scf.for %scan3A_326 = %scan3A_320 to %scan3A_322 step %scan3A_323 iter_args(%scan3A_327 = %scan3A_228) -> (vector<16xf32>)  : i32 {
        %mul3A_328 = arith.constant 16 : i32
        %mul3A_329 = arith.muli %scan3A_326, %mul3A_328 : i32
        %get3A_330 = arith.index_cast %mul3A_329 : i32 to index
        %get3A_331 = tpu.vector_load %arg22[%get3A_330] {strides = array<i32>} : memref<2048xf32, #tpu.memory_space<vmem>>, vector<16xf32>,
        %get3A_332 = vector.shape_cast %get3A_331 : vector<16xf32> to vector<16xf32>
        %get3A_333 = arith.index_cast %mul3A_329 : i32 to index
        %get3A_334 = tpu.vector_load %arg25[%get3A_333] {strides = array<i32>} : memref<2048xf32, #tpu.memory_space<vmem>>, vector<16xf32>,
        %get3A_335 = vector.shape_cast %get3A_334 : vector<16xf32> to vector<16xf32>
        %sub3A_336 = arith.subf %get3A_332, %get3A_335 : vector<16xf32>
        %get3A_337 = arith.index_cast %mul3A_329 : i32 to index
        %get3A_338 = tpu.vector_load %arg23[%get3A_337] {strides = array<i32>} : memref<2048xf32, #tpu.memory_space<vmem>>, vector<16xf32>,
        %get3A_339 = vector.shape_cast %get3A_338 : vector<16xf32> to vector<16xf32>
        %get3A_340 = arith.index_cast %mul3A_329 : i32 to index
        %get3A_341 = tpu.vector_load %arg26[%get3A_340] {strides = array<i32>} : memref<2048xf32, #tpu.memory_space<vmem>>, vector<16xf32>,
        %get3A_342 = vector.shape_cast %get3A_341 : vector<16xf32> to vector<16xf32>
        %sub3A_343 = arith.subf %get3A_339, %get3A_342 : vector<16xf32>
        %get3A_344 = arith.index_cast %mul3A_329 : i32 to index
        %get3A_345 = tpu.vector_load %arg24[%get3A_344] {strides = array<i32>} : memref<2048xf32, #tpu.memory_space<vmem>>, vector<16xf32>,
        %get3A_346 = vector.shape_cast %get3A_345 : vector<16xf32> to vector<16xf32>
        %get3A_347 = arith.index_cast %mul3A_329 : i32 to index
        %get3A_348 = tpu.vector_load %arg27[%get3A_347] {strides = array<i32>} : memref<2048xf32, #tpu.memory_space<vmem>>, vector<16xf32>,
        %get3A_349 = vector.shape_cast %get3A_348 : vector<16xf32> to vector<16xf32>
        %sub3A_350 = arith.subf %get3A_346, %get3A_349 : vector<16xf32>
        %get3A_351 = arith.index_cast %mul3A_329 : i32 to index
        %get3A_352 = tpu.vector_load %arg28[%get3A_351] {strides = array<i32>} : memref<2048xf32, #tpu.memory_space<vmem>>, vector<16xf32>,
        %get3A_353 = vector.shape_cast %get3A_352 : vector<16xf32> to vector<16xf32>
        %sub3A_354 = arith.constant 1.000000e+00 : f32
        %sub3A_355 = vector.broadcast %sub3A_354 : f32 to vector<16xf32>
        %sub3A_356 = arith.subf %sub3A_355, %get3A_353 : vector<16xf32>
        %mul3A_357 = arith.mulf %sub3A_336, %sub3A_336 : vector<16xf32>
        %mul3A_358 = arith.mulf %sub3A_343, %sub3A_343 : vector<16xf32>
        %add3A_359 = arith.addf %mul3A_357, %mul3A_358 : vector<16xf32>
        %mul3A_360 = arith.mulf %sub3A_350, %sub3A_350 : vector<16xf32>
        %add3A_361 = arith.addf %add3A_359, %mul3A_360 : vector<16xf32>
        %mul3A_362 = arith.mulf %sub3A_356, %sub3A_356 : vector<16xf32>
        %mul3A_363 = arith.mulf %add3A_361, %mul3A_362 : vector<16xf32>
        %add3A_364 = arith.addf %scan3A_327, %mul3A_363 : vector<16xf32>
        scf.yield %add3A_364 : vector<16xf32>
      }
      %scan3A_325 = arith.constant 128 : i32
      scf.yield %scan3A_324 : vector<16xf32>
    }
    %scan3A_73 = arith.constant 31 : i32
    %get3A_74 = arith.constant 448 : index
    %get3A_75 = tpu.vector_load %arg10[%get3A_74] {strides = array<i32>} : memref<512xf32, #tpu.memory_space<vmem>>, vector<16xf32>,
    %get3A_76 = vector.shape_cast %get3A_75 : vector<16xf32> to vector<16xf32>
    %get3A_77 = arith.constant 464 : index
    %get3A_78 = tpu.vector_load %arg10[%get3A_77] {strides = array<i32>} : memref<512xf32, #tpu.memory_space<vmem>>, vector<16xf32>,
    %get3A_79 = vector.shape_cast %get3A_78 : vector<16xf32> to vector<16xf32>
    %get3A_80 = arith.constant 480 : index
    %get3A_81 = tpu.vector_load %arg10[%get3A_80] {strides = array<i32>} : memref<512xf32, #tpu.memory_space<vmem>>, vector<16xf32>,
    %get3A_82 = vector.shape_cast %get3A_81 : vector<16xf32> to vector<16xf32>
    %get3A_83 = arith.constant 496 : index
    %get3A_84 = tpu.vector_load %arg10[%get3A_83] {strides = array<i32>} : memref<512xf32, #tpu.memory_space<vmem>>, vector<16xf32>,
    %get3A_85 = vector.shape_cast %get3A_84 : vector<16xf32> to vector<16xf32>
    %scan3A_86 = arith.constant 0 : i32
    %scan3A_87 = arith.constant 0 : i32
    %scan3A_88 = arith.constant 128 : i32
    %scan3A_89 = arith.addi %scan3A_87, %scan3A_88 : i32
    %scan3A_90 = arith.constant 1 : i32
    scf.for %scan3A_132 = %scan3A_87 to %scan3A_89 step %scan3A_90  : i32 {
      %mul3A_133 = arith.constant 16 : i32
      %mul3A_134 = arith.muli %scan3A_132, %mul3A_133 : i32
      %add3A_135 = arith.constant 14336 : i32
      %add3A_136 = arith.addi %add3A_135, %mul3A_134 : i32
      %get3A_137 = arith.index_cast %add3A_136 : i32 to index
      %get3A_138 = tpu.vector_load %arg9[%get3A_137] {strides = array<i32>} : memref<49152xf32, #tpu.memory_space<vmem>>, vector<16xf32>,
      %get3A_139 = vector.shape_cast %get3A_138 : vector<16xf32> to vector<16xf32>
      %add3A_140 = arith.constant 16384 : i32
      %add3A_141 = arith.addi %add3A_140, %add3A_136 : i32
      %get3A_142 = arith.index_cast %add3A_141 : i32 to index
      %get3A_143 = tpu.vector_load %arg9[%get3A_142] {strides = array<i32>} : memref<49152xf32, #tpu.memory_space<vmem>>, vector<16xf32>,
      %get3A_144 = vector.shape_cast %get3A_143 : vector<16xf32> to vector<16xf32>
      %add3A_145 = arith.constant 32768 : i32
      %add3A_146 = arith.addi %add3A_145, %add3A_136 : i32
      %get3A_147 = arith.index_cast %add3A_146 : i32 to index
      %get3A_148 = tpu.vector_load %arg9[%get3A_147] {strides = array<i32>} : memref<49152xf32, #tpu.memory_space<vmem>>, vector<16xf32>,
      %get3A_149 = vector.shape_cast %get3A_148 : vector<16xf32> to vector<16xf32>
      %mul3A_150 = arith.mulf %get3A_139, %get3A_76 : vector<16xf32>
      %mul3A_151 = arith.mulf %get3A_144, %get3A_79 : vector<16xf32>
      %add3A_152 = arith.addf %mul3A_150, %mul3A_151 : vector<16xf32>
      %mul3A_153 = arith.mulf %get3A_149, %get3A_82 : vector<16xf32>
      %add3A_154 = arith.addf %add3A_152, %mul3A_153 : vector<16xf32>
      %add3A_155 = arith.addf %add3A_154, %get3A_85 : vector<16xf32>
      %add3A_156 = arith.addf %add3A_155, %add3A_155 : vector<16xf32>
      %mul3A_157 = arith.mulf %add3A_156, %get3A_76 : vector<16xf32>
      %sub3A_158 = arith.subf %get3A_139, %mul3A_157 : vector<16xf32>
      %mul3A_159 = arith.mulf %add3A_156, %get3A_79 : vector<16xf32>
      %sub3A_160 = arith.subf %get3A_144, %mul3A_159 : vector<16xf32>
      %mul3A_161 = arith.mulf %add3A_156, %get3A_82 : vector<16xf32>
      %sub3A_162 = arith.subf %get3A_149, %mul3A_161 : vector<16xf32>
      %add3A_163 = arith.constant 5.000000e-01 : f32
      %add3A_164 = vector.broadcast %add3A_163 : f32 to vector<16xf32>
      %add3A_165 = arith.addf %sub3A_158, %add3A_164 : vector<16xf32>
      %mul3A_166 = arith.constant 6.400000e+01 : f32
      %mul3A_167 = vector.broadcast %mul3A_166 : f32 to vector<16xf32>
      %mul3A_168 = arith.mulf %add3A_165, %mul3A_167 : vector<16xf32>
      %convert_element_type3A = arith.fptosi %mul3A_168 : vector<16xf32> to vector<16xi32>
      %convert_element_type3A_169 = arith.sitofp %convert_element_type3A : vector<16xi32> to vector<16xf32>
      %gt3A = arith.cmpf ogt, %convert_element_type3A_169, %mul3A_168 : vector<16xf32>
      %sub3A_170 = arith.constant 1 : i32
      %sub3A_171 = vector.broadcast %sub3A_170 : i32 to vector<16xi32>
      %sub3A_172 = arith.subi %convert_element_type3A, %sub3A_171 : vector<16xi32>
      %select_n3A_173 = arith.select %gt3A, %sub3A_172, %convert_element_type3A : vector<16xi1>, vector<16xi32>
      %add3A_174 = arith.constant 5.000000e-01 : f32
      %add3A_175 = vector.broadcast %add3A_174 : f32 to vector<16xf32>
      %add3A_176 = arith.addf %sub3A_160, %add3A_175 : vector<16xf32>
      %mul3A_177 = arith.constant 6.400000e+01 : f32
      %mul3A_178 = vector.broadcast %mul3A_177 : f32 to vector<16xf32>
      %mul3A_179 = arith.mulf %add3A_176, %mul3A_178 : vector<16xf32>
      %convert_element_type3A_180 = arith.fptosi %mul3A_179 : vector<16xf32> to vector<16xi32>
      %convert_element_type3A_181 = arith.sitofp %convert_element_type3A_180 : vector<16xi32> to vector<16xf32>
      %gt3A_182 = arith.cmpf ogt, %convert_element_type3A_181, %mul3A_179 : vector<16xf32>
      %sub3A_183 = arith.constant 1 : i32
      %sub3A_184 = vector.broadcast %sub3A_183 : i32 to vector<16xi32>
      %sub3A_185 = arith.subi %convert_element_type3A_180, %sub3A_184 : vector<16xi32>
      %select_n3A_186 = arith.select %gt3A_182, %sub3A_185, %convert_element_type3A_180 : vector<16xi1>, vector<16xi32>
      %add3A_187 = arith.constant 5.000000e-01 : f32
      %add3A_188 = vector.broadcast %add3A_187 : f32 to vector<16xf32>
      %add3A_189 = arith.addf %sub3A_162, %add3A_188 : vector<16xf32>
      %mul3A_190 = arith.constant 6.400000e+01 : f32
      %mul3A_191 = vector.broadcast %mul3A_190 : f32 to vector<16xf32>
      %mul3A_192 = arith.mulf %add3A_189, %mul3A_191 : vector<16xf32>
      %convert_element_type3A_193 = arith.fptosi %mul3A_192 : vector<16xf32> to vector<16xi32>
      %convert_element_type3A_194 = arith.sitofp %convert_element_type3A_193 : vector<16xi32> to vector<16xf32>
      %gt3A_195 = arith.cmpf ogt, %convert_element_type3A_194, %mul3A_192 : vector<16xf32>
      %sub3A_196 = arith.constant 1 : i32
      %sub3A_197 = vector.broadcast %sub3A_196 : i32 to vector<16xi32>
      %sub3A_198 = arith.subi %convert_element_type3A_193, %sub3A_197 : vector<16xi32>
      %select_n3A_199 = arith.select %gt3A_195, %sub3A_198, %convert_element_type3A_193 : vector<16xi1>, vector<16xi32>
      %mul3A_200 = arith.constant 4096 : i32
      %mul3A_201 = vector.broadcast %mul3A_200 : i32 to vector<16xi32>
      %mul3A_202 = arith.muli %select_n3A_173, %mul3A_201 : vector<16xi32>
      %mul3A_203 = arith.constant 64 : i32
      %mul3A_204 = vector.broadcast %mul3A_203 : i32 to vector<16xi32>
      %mul3A_205 = arith.muli %select_n3A_186, %mul3A_204 : vector<16xi32>
      %add3A_206 = arith.addi %mul3A_202, %mul3A_205 : vector<16xi32>
      %add3A_207 = arith.addi %add3A_206, %select_n3A_199 : vector<16xi32>
      %jit3A_208 = arith.constant 0 : i32
      %jit3A_209 = arith.constant 262143 : i32
      %max3A = vector.broadcast %jit3A_208 : i32 to vector<16xi32>
      %max3A_210 = arith.maxsi %max3A, %add3A_207 : vector<16xi32>
      %min3A = vector.broadcast %jit3A_209 : i32 to vector<16xi32>
      %min3A_211 = arith.minsi %min3A, %max3A_210 : vector<16xi32>
      %mul3A_212 = arith.constant 16 : i32
      %mul3A_213 = arith.muli %scan3A_132, %mul3A_212 : i32
      %mul3A_214 = arith.constant 262144 : i32
      %mul3A_215 = arith.muli %select_n3A, %mul3A_214 : i32
      %add3A_216 = vector.broadcast %mul3A_215 : i32 to vector<16xi32>
      %add3A_217 = arith.addi %min3A_211, %add3A_216 : vector<16xi32>
      %swap3A_218 = arith.index_cast %mul3A_213 : i32 to index
      %swap3A_219 = tpu.vector_load %arg21[%swap3A_218] {strides = array<i32>} : memref<2048xi32, #tpu.memory_space<vmem>>, vector<16xi32>,
      %swap3A_220 = vector.shape_cast %swap3A_219 : vector<16xi32> to vector<16xi32>
      %swap3A_221 = vector.shape_cast %add3A_217 : vector<16xi32> to vector<16xi32>
      tpu.vector_store %arg21[%swap3A_218], %swap3A_221 {strides = array<i32>} : memref<2048xi32, #tpu.memory_space<vmem>>, vector<16xi32>,
      %swap3A_222 = arith.index_cast %mul3A_213 : i32 to index
      %swap3A_223 = tpu.vector_load %arg22[%swap3A_222] {strides = array<i32>} : memref<2048xf32, #tpu.memory_space<vmem>>, vector<16xf32>,
      %swap3A_224 = vector.shape_cast %swap3A_223 : vector<16xf32> to vector<16xf32>
      %swap3A_225 = vector.shape_cast %sub3A_158 : vector<16xf32> to vector<16xf32>
      tpu.vector_store %arg22[%swap3A_222], %swap3A_225 {strides = array<i32>} : memref<2048xf32, #tpu.memory_space<vmem>>, vector<16xf32>,
      %swap3A_226 = arith.index_cast %mul3A_213 : i32 to index
      %swap3A_227 = tpu.vector_load %arg23[%swap3A_226] {strides = array<i32>} : memref<2048xf32, #tpu.memory_space<vmem>>, vector<16xf32>,
      %swap3A_228 = vector.shape_cast %swap3A_227 : vector<16xf32> to vector<16xf32>
      %swap3A_229 = vector.shape_cast %sub3A_160 : vector<16xf32> to vector<16xf32>
      tpu.vector_store %arg23[%swap3A_226], %swap3A_229 {strides = array<i32>} : memref<2048xf32, #tpu.memory_space<vmem>>, vector<16xf32>,
      %swap3A_230 = arith.index_cast %mul3A_213 : i32 to index
      %swap3A_231 = tpu.vector_load %arg24[%swap3A_230] {strides = array<i32>} : memref<2048xf32, #tpu.memory_space<vmem>>, vector<16xf32>,
      %swap3A_232 = vector.shape_cast %swap3A_231 : vector<16xf32> to vector<16xf32>
      %swap3A_233 = vector.shape_cast %sub3A_162 : vector<16xf32> to vector<16xf32>
      tpu.vector_store %arg24[%swap3A_230], %swap3A_233 {strides = array<i32>} : memref<2048xf32, #tpu.memory_space<vmem>>, vector<16xf32>,
    }
    %scan3A_91 = arith.constant 128 : i32
    %dma_start3A_92 = arith.constant 0 : i32
    %dma_start3A_93 = tpu.memref_slice %arg4[%dma_start3A_92] : memref<4194304xf32, #tpu.memory_space<hbm>> -> memref<4194304xf32, #tpu.memory_space<hbm>>
    tpu.enqueue_indirect_dma source(%dma_start3A_93 : memref<4194304xf32, #tpu.memory_space<hbm>>) target(%arg25 : memref<2048xf32, #tpu.memory_space<vmem>>) offsets(%arg21 : memref<2048xi32, #tpu.memory_space<vmem>>) semaphore(%arg29 : memref<!tpu.dma_semaphore, #tpu.memory_space<semaphore_mem>>)
    %dma_start3A_94 = arith.constant 0 : i32
    %dma_start3A_95 = tpu.memref_slice %arg5[%dma_start3A_94] : memref<4194304xf32, #tpu.memory_space<hbm>> -> memref<4194304xf32, #tpu.memory_space<hbm>>
    tpu.enqueue_indirect_dma source(%dma_start3A_95 : memref<4194304xf32, #tpu.memory_space<hbm>>) target(%arg26 : memref<2048xf32, #tpu.memory_space<vmem>>) offsets(%arg21 : memref<2048xi32, #tpu.memory_space<vmem>>) semaphore(%arg29 : memref<!tpu.dma_semaphore, #tpu.memory_space<semaphore_mem>>)
    %dma_start3A_96 = arith.constant 0 : i32
    %dma_start3A_97 = tpu.memref_slice %arg6[%dma_start3A_96] : memref<4194304xf32, #tpu.memory_space<hbm>> -> memref<4194304xf32, #tpu.memory_space<hbm>>
    tpu.enqueue_indirect_dma source(%dma_start3A_97 : memref<4194304xf32, #tpu.memory_space<hbm>>) target(%arg27 : memref<2048xf32, #tpu.memory_space<vmem>>) offsets(%arg21 : memref<2048xi32, #tpu.memory_space<vmem>>) semaphore(%arg29 : memref<!tpu.dma_semaphore, #tpu.memory_space<semaphore_mem>>)
    %dma_start3A_98 = arith.constant 0 : i32
    %dma_start3A_99 = tpu.memref_slice %arg7[%dma_start3A_98] : memref<4194304xf32, #tpu.memory_space<hbm>> -> memref<4194304xf32, #tpu.memory_space<hbm>>
    tpu.enqueue_indirect_dma source(%dma_start3A_99 : memref<4194304xf32, #tpu.memory_space<hbm>>) target(%arg28 : memref<2048xf32, #tpu.memory_space<vmem>>) offsets(%arg21 : memref<2048xi32, #tpu.memory_space<vmem>>) semaphore(%arg29 : memref<!tpu.dma_semaphore, #tpu.memory_space<semaphore_mem>>)
    %dma_wait3A = arith.constant 0 : i32
    %dma_wait3A_100 = tpu.memref_slice %arg4[%dma_wait3A] : memref<4194304xf32, #tpu.memory_space<hbm>> -> memref<4194304xf32, #tpu.memory_space<hbm>>
    tpu.wait_indirect_dma semaphore(%arg20 : memref<!tpu.dma_semaphore, #tpu.memory_space<semaphore_mem>>) src(%dma_wait3A_100 : memref<4194304xf32, #tpu.memory_space<hbm>>) dst(%arg16 : memref<2048xf32, #tpu.memory_space<vmem>>)
    %dma_wait3A_101 = arith.constant 0 : i32
    %dma_wait3A_102 = tpu.memref_slice %arg5[%dma_wait3A_101] : memref<4194304xf32, #tpu.memory_space<hbm>> -> memref<4194304xf32, #tpu.memory_space<hbm>>
    tpu.wait_indirect_dma semaphore(%arg20 : memref<!tpu.dma_semaphore, #tpu.memory_space<semaphore_mem>>) src(%dma_wait3A_102 : memref<4194304xf32, #tpu.memory_space<hbm>>) dst(%arg17 : memref<2048xf32, #tpu.memory_space<vmem>>)
    %dma_wait3A_103 = arith.constant 0 : i32
    %dma_wait3A_104 = tpu.memref_slice %arg6[%dma_wait3A_103] : memref<4194304xf32, #tpu.memory_space<hbm>> -> memref<4194304xf32, #tpu.memory_space<hbm>>
    tpu.wait_indirect_dma semaphore(%arg20 : memref<!tpu.dma_semaphore, #tpu.memory_space<semaphore_mem>>) src(%dma_wait3A_104 : memref<4194304xf32, #tpu.memory_space<hbm>>) dst(%arg18 : memref<2048xf32, #tpu.memory_space<vmem>>)
    %dma_wait3A_105 = arith.constant 0 : i32
    %dma_wait3A_106 = tpu.memref_slice %arg7[%dma_wait3A_105] : memref<4194304xf32, #tpu.memory_space<hbm>> -> memref<4194304xf32, #tpu.memory_space<hbm>>
    tpu.wait_indirect_dma semaphore(%arg20 : memref<!tpu.dma_semaphore, #tpu.memory_space<semaphore_mem>>) src(%dma_wait3A_106 : memref<4194304xf32, #tpu.memory_space<hbm>>) dst(%arg19 : memref<2048xf32, #tpu.memory_space<vmem>>)
    %scan3A_107 = arith.constant 0 : i32
    %scan3A_108 = arith.constant 128 : i32
    %scan3A_109 = arith.addi %scan3A_107, %scan3A_108 : i32
    %scan3A_110 = arith.constant 1 : i32
    %scan3A_111 = scf.for %scan3A_132 = %scan3A_107 to %scan3A_109 step %scan3A_110 iter_args(%scan3A_133 = %scan3A_72) -> (vector<16xf32>)  : i32 {
      %mul3A_134 = arith.constant 16 : i32
      %mul3A_135 = arith.muli %scan3A_132, %mul3A_134 : i32
      %get3A_136 = arith.index_cast %mul3A_135 : i32 to index
      %get3A_137 = tpu.vector_load %arg13[%get3A_136] {strides = array<i32>} : memref<2048xf32, #tpu.memory_space<vmem>>, vector<16xf32>,
      %get3A_138 = vector.shape_cast %get3A_137 : vector<16xf32> to vector<16xf32>
      %get3A_139 = arith.index_cast %mul3A_135 : i32 to index
      %get3A_140 = tpu.vector_load %arg16[%get3A_139] {strides = array<i32>} : memref<2048xf32, #tpu.memory_space<vmem>>, vector<16xf32>,
      %get3A_141 = vector.shape_cast %get3A_140 : vector<16xf32> to vector<16xf32>
      %sub3A_142 = arith.subf %get3A_138, %get3A_141 : vector<16xf32>
      %get3A_143 = arith.index_cast %mul3A_135 : i32 to index
      %get3A_144 = tpu.vector_load %arg14[%get3A_143] {strides = array<i32>} : memref<2048xf32, #tpu.memory_space<vmem>>, vector<16xf32>,
      %get3A_145 = vector.shape_cast %get3A_144 : vector<16xf32> to vector<16xf32>
      %get3A_146 = arith.index_cast %mul3A_135 : i32 to index
      %get3A_147 = tpu.vector_load %arg17[%get3A_146] {strides = array<i32>} : memref<2048xf32, #tpu.memory_space<vmem>>, vector<16xf32>,
      %get3A_148 = vector.shape_cast %get3A_147 : vector<16xf32> to vector<16xf32>
      %sub3A_149 = arith.subf %get3A_145, %get3A_148 : vector<16xf32>
      %get3A_150 = arith.index_cast %mul3A_135 : i32 to index
      %get3A_151 = tpu.vector_load %arg15[%get3A_150] {strides = array<i32>} : memref<2048xf32, #tpu.memory_space<vmem>>, vector<16xf32>,
      %get3A_152 = vector.shape_cast %get3A_151 : vector<16xf32> to vector<16xf32>
      %get3A_153 = arith.index_cast %mul3A_135 : i32 to index
      %get3A_154 = tpu.vector_load %arg18[%get3A_153] {strides = array<i32>} : memref<2048xf32, #tpu.memory_space<vmem>>, vector<16xf32>,
      %get3A_155 = vector.shape_cast %get3A_154 : vector<16xf32> to vector<16xf32>
      %sub3A_156 = arith.subf %get3A_152, %get3A_155 : vector<16xf32>
      %get3A_157 = arith.index_cast %mul3A_135 : i32 to index
      %get3A_158 = tpu.vector_load %arg19[%get3A_157] {strides = array<i32>} : memref<2048xf32, #tpu.memory_space<vmem>>, vector<16xf32>,
      %get3A_159 = vector.shape_cast %get3A_158 : vector<16xf32> to vector<16xf32>
      %sub3A_160 = arith.constant 1.000000e+00 : f32
      %sub3A_161 = vector.broadcast %sub3A_160 : f32 to vector<16xf32>
      %sub3A_162 = arith.subf %sub3A_161, %get3A_159 : vector<16xf32>
      %mul3A_163 = arith.mulf %sub3A_142, %sub3A_142 : vector<16xf32>
      %mul3A_164 = arith.mulf %sub3A_149, %sub3A_149 : vector<16xf32>
      %add3A_165 = arith.addf %mul3A_163, %mul3A_164 : vector<16xf32>
      %mul3A_166 = arith.mulf %sub3A_156, %sub3A_156 : vector<16xf32>
      %add3A_167 = arith.addf %add3A_165, %mul3A_166 : vector<16xf32>
      %mul3A_168 = arith.mulf %sub3A_162, %sub3A_162 : vector<16xf32>
      %mul3A_169 = arith.mulf %add3A_167, %mul3A_168 : vector<16xf32>
      %add3A_170 = arith.addf %scan3A_133, %mul3A_169 : vector<16xf32>
      scf.yield %add3A_170 : vector<16xf32>
    }
    %scan3A_112 = arith.constant 128 : i32
    %dma_wait3A_113 = arith.constant 0 : i32
    %dma_wait3A_114 = tpu.memref_slice %arg4[%dma_wait3A_113] : memref<4194304xf32, #tpu.memory_space<hbm>> -> memref<4194304xf32, #tpu.memory_space<hbm>>
    tpu.wait_indirect_dma semaphore(%arg29 : memref<!tpu.dma_semaphore, #tpu.memory_space<semaphore_mem>>) src(%dma_wait3A_114 : memref<4194304xf32, #tpu.memory_space<hbm>>) dst(%arg25 : memref<2048xf32, #tpu.memory_space<vmem>>)
    %dma_wait3A_115 = arith.constant 0 : i32
    %dma_wait3A_116 = tpu.memref_slice %arg5[%dma_wait3A_115] : memref<4194304xf32, #tpu.memory_space<hbm>> -> memref<4194304xf32, #tpu.memory_space<hbm>>
    tpu.wait_indirect_dma semaphore(%arg29 : memref<!tpu.dma_semaphore, #tpu.memory_space<semaphore_mem>>) src(%dma_wait3A_116 : memref<4194304xf32, #tpu.memory_space<hbm>>) dst(%arg26 : memref<2048xf32, #tpu.memory_space<vmem>>)
    %dma_wait3A_117 = arith.constant 0 : i32
    %dma_wait3A_118 = tpu.memref_slice %arg6[%dma_wait3A_117] : memref<4194304xf32, #tpu.memory_space<hbm>> -> memref<4194304xf32, #tpu.memory_space<hbm>>
    tpu.wait_indirect_dma semaphore(%arg29 : memref<!tpu.dma_semaphore, #tpu.memory_space<semaphore_mem>>) src(%dma_wait3A_118 : memref<4194304xf32, #tpu.memory_space<hbm>>) dst(%arg27 : memref<2048xf32, #tpu.memory_space<vmem>>)
    %dma_wait3A_119 = arith.constant 0 : i32
    %dma_wait3A_120 = tpu.memref_slice %arg7[%dma_wait3A_119] : memref<4194304xf32, #tpu.memory_space<hbm>> -> memref<4194304xf32, #tpu.memory_space<hbm>>
    tpu.wait_indirect_dma semaphore(%arg29 : memref<!tpu.dma_semaphore, #tpu.memory_space<semaphore_mem>>) src(%dma_wait3A_120 : memref<4194304xf32, #tpu.memory_space<hbm>>) dst(%arg28 : memref<2048xf32, #tpu.memory_space<vmem>>)
    %scan3A_121 = arith.constant 0 : i32
    %scan3A_122 = arith.constant 128 : i32
    %scan3A_123 = arith.addi %scan3A_121, %scan3A_122 : i32
    %scan3A_124 = arith.constant 1 : i32
    %scan3A_125 = scf.for %scan3A_132 = %scan3A_121 to %scan3A_123 step %scan3A_124 iter_args(%scan3A_133 = %scan3A_111) -> (vector<16xf32>)  : i32 {
      %mul3A_134 = arith.constant 16 : i32
      %mul3A_135 = arith.muli %scan3A_132, %mul3A_134 : i32
      %get3A_136 = arith.index_cast %mul3A_135 : i32 to index
      %get3A_137 = tpu.vector_load %arg22[%get3A_136] {strides = array<i32>} : memref<2048xf32, #tpu.memory_space<vmem>>, vector<16xf32>,
      %get3A_138 = vector.shape_cast %get3A_137 : vector<16xf32> to vector<16xf32>
      %get3A_139 = arith.index_cast %mul3A_135 : i32 to index
      %get3A_140 = tpu.vector_load %arg25[%get3A_139] {strides = array<i32>} : memref<2048xf32, #tpu.memory_space<vmem>>, vector<16xf32>,
      %get3A_141 = vector.shape_cast %get3A_140 : vector<16xf32> to vector<16xf32>
      %sub3A_142 = arith.subf %get3A_138, %get3A_141 : vector<16xf32>
      %get3A_143 = arith.index_cast %mul3A_135 : i32 to index
      %get3A_144 = tpu.vector_load %arg23[%get3A_143] {strides = array<i32>} : memref<2048xf32, #tpu.memory_space<vmem>>, vector<16xf32>,
      %get3A_145 = vector.shape_cast %get3A_144 : vector<16xf32> to vector<16xf32>
      %get3A_146 = arith.index_cast %mul3A_135 : i32 to index
      %get3A_147 = tpu.vector_load %arg26[%get3A_146] {strides = array<i32>} : memref<2048xf32, #tpu.memory_space<vmem>>, vector<16xf32>,
      %get3A_148 = vector.shape_cast %get3A_147 : vector<16xf32> to vector<16xf32>
      %sub3A_149 = arith.subf %get3A_145, %get3A_148 : vector<16xf32>
      %get3A_150 = arith.index_cast %mul3A_135 : i32 to index
      %get3A_151 = tpu.vector_load %arg24[%get3A_150] {strides = array<i32>} : memref<2048xf32, #tpu.memory_space<vmem>>, vector<16xf32>,
      %get3A_152 = vector.shape_cast %get3A_151 : vector<16xf32> to vector<16xf32>
      %get3A_153 = arith.index_cast %mul3A_135 : i32 to index
      %get3A_154 = tpu.vector_load %arg27[%get3A_153] {strides = array<i32>} : memref<2048xf32, #tpu.memory_space<vmem>>, vector<16xf32>,
      %get3A_155 = vector.shape_cast %get3A_154 : vector<16xf32> to vector<16xf32>
      %sub3A_156 = arith.subf %get3A_152, %get3A_155 : vector<16xf32>
      %get3A_157 = arith.index_cast %mul3A_135 : i32 to index
      %get3A_158 = tpu.vector_load %arg28[%get3A_157] {strides = array<i32>} : memref<2048xf32, #tpu.memory_space<vmem>>, vector<16xf32>,
      %get3A_159 = vector.shape_cast %get3A_158 : vector<16xf32> to vector<16xf32>
      %sub3A_160 = arith.constant 1.000000e+00 : f32
      %sub3A_161 = vector.broadcast %sub3A_160 : f32 to vector<16xf32>
      %sub3A_162 = arith.subf %sub3A_161, %get3A_159 : vector<16xf32>
      %mul3A_163 = arith.mulf %sub3A_142, %sub3A_142 : vector<16xf32>
      %mul3A_164 = arith.mulf %sub3A_149, %sub3A_149 : vector<16xf32>
      %add3A_165 = arith.addf %mul3A_163, %mul3A_164 : vector<16xf32>
      %mul3A_166 = arith.mulf %sub3A_156, %sub3A_156 : vector<16xf32>
      %add3A_167 = arith.addf %add3A_165, %mul3A_166 : vector<16xf32>
      %mul3A_168 = arith.mulf %sub3A_162, %sub3A_162 : vector<16xf32>
      %mul3A_169 = arith.mulf %add3A_167, %mul3A_168 : vector<16xf32>
      %add3A_170 = arith.addf %scan3A_133, %mul3A_169 : vector<16xf32>
      scf.yield %add3A_170 : vector<16xf32>
    }
    %scan3A_126 = arith.constant 128 : i32
    %swap3A = arith.constant 0 : index
    %swap3A_127 = tpu.vector_load %arg11[%swap3A] {strides = array<i32>} : memref<16xf32, #tpu.memory_space<vmem>>, vector<16xf32>,
    %swap3A_128 = vector.shape_cast %swap3A_127 : vector<16xf32> to vector<16xf32>
    %swap3A_129 = vector.shape_cast %scan3A_125 : vector<16xf32> to vector<16xf32>
    tpu.vector_store %arg11[%swap3A], %swap3A_129 {strides = array<i32>} : memref<16xf32, #tpu.memory_space<vmem>>, vector<16xf32>,
    %mul3A_130 = arith.constant 16 : i32
    %mul3A_131 = arith.muli %add3A, %mul3A_130 : i32
    "tpu.region"() ({
      %run_scoped3A = tpu.sem_alloc : memref<!tpu.dma_semaphore, #tpu.memory_space<semaphore_mem>>
      %dma_start3A_132 = tpu.memref_slice %arg8[%mul3A_131] : memref<512xf32, #tpu.memory_space<hbm>> -> memref<16xf32, #tpu.memory_space<hbm>>
      %dma_start3A_133 = tpu.memref_slice %arg8[%mul3A_131] : memref<512xf32, #tpu.memory_space<hbm>> -> memref<16xf32, #tpu.memory_space<hbm>>
      tpu.enqueue_dma source(%arg11 : memref<16xf32, #tpu.memory_space<vmem>>) target(%dma_start3A_133 : memref<16xf32, #tpu.memory_space<hbm>>) target_semaphore(%run_scoped3A : memref<!tpu.dma_semaphore, #tpu.memory_space<semaphore_mem>>)
      %dma_wait3A_134 = tpu.memref_slice %arg8[%mul3A_131] : memref<512xf32, #tpu.memory_space<hbm>> -> memref<16xf32, #tpu.memory_space<hbm>>
      %dma_wait3A_135 = tpu.memref_slice %arg8[%mul3A_131] : memref<512xf32, #tpu.memory_space<hbm>> -> memref<16xf32, #tpu.memory_space<hbm>>
      tpu.wait_dma2 semaphore(%run_scoped3A : memref<!tpu.dma_semaphore, #tpu.memory_space<semaphore_mem>>) src(%arg11 : memref<16xf32, #tpu.memory_space<vmem>>) dst(%dma_wait3A_135 : memref<16xf32, #tpu.memory_space<hbm>>)
      tpu.yield
    }) : () -> ()
    return
  }
}

</mosaic_0001>

<sc_bundles>
// kernel: kernel.3.cloned.1.call-start
scs
__scs_entry_jumppad:
0x0: {  	(pc) =	sbr.rel $0x88, $3  }
0x1: {  	(tag) =	ssettag $0x0;
	lr =	simm.s32 $0x1  }
0x2: {  	[smem:$0x3F9D] =	sst lr;
	_ =	strace $0xD0000000  }
0x3: {  	_ = 	snop  }
0x4: {  	_ = 	snop  }
0x5: {  	_ = 	snop  }
0x6: {  	_ = 	snop  }
0x7: {  	_ = 	snop  }
__scs_overlays_trampoline_lowered:
0x8: {  	[smem:$0x3FAC] =	sst s0  }
0x9: {  	[smem:$0x3FAD] =	sst s1  }
0xa: {  	[smem:$0x3FAE] =	sst s2  }
0xb: {  	[smem:$0x3FAF] =	sst s3  }
0xc: {  	[smem:$0x3FB0] =	sst s4  }
0xd: {  	[smem:$0x3FB1] =	sst s5  }
0xe: {  	[smem:$0x3FB2] =	sst s6  }
0xf: {  	[smem:$0x3FB3] =	sst s7  }
0x10: {  	[smem:$0x3FB4] =	sst s8  }
0x11: {  	[smem:$0x3FB5] =	sst s9;
	s0 =	simm.s32 @!p0 $0x0  }
0x12: {  	s1 =	sld [smem:$0x3F9B];
	s0 =	simm.s32 @p0 $0x1  }
0x13: {  	[smem:$0x3FB6] =	sst s0;
	s0 =	simm.s32 @!p1 $0x0  }
0x14: {  	s2 =	sld [smem:$0x3F9A];
	s0 =	simm.s32 @p1 $0x1  }
0x15: {  	[smem:$0x3FB7] =	sst s0;
	s0 =	simm.s32 @!p2 $0x0  }
0x16: {  	s3 =	sld [smem:$0x3FDB];
	s0 =	simm.s32 @p2 $0x1  }
0x17: {  	s4 =	simm.s32 $0x1BF5;
	[smem:$0x3FB9] =	sst s0  }
0x18: {  	s0 =	sld [smem:$0x3F9C];
	_ =	swait.ge [sflag:s4], $0x0  }
0x19: {  	s7 =	sld [smem:$0x3F9D]  }
0x1a: {  	s8 =	sadd.s32 $0xFFFFE003, lr  }
0x1b: {  	s9 =	sadd.s32 $0xFFFFFEF7, lr;
	s5 =	simm.s32 $0xFFFFFFFF;
	p2 =	slt.u32 s8, $0xFFFFF086  }
0x1c: {  	p1 =	slt.u32 s9, $0xF7A;
	s5 =	simm.s32 @!p2 $0x0  }
0x1d: {  	s5 =	simm.s32 @p1 $0x1;
	p0 =	seq.s32 s7, s2  }
0x1e: {  	s7 =	smul.u32 @!p0 $0xF7A, s2;
	p2 =	seq.s32 @!p0 s5, $0x0  }
0x1f: {  	s9 =	smul.u32 $0xF7A, s1;
	s8 =	simm.s32 @!p0 $0x1BF5;
	p2 =	por !p2, p0  }
0x20: {  	[sflag:s8] =	ssyncset.s32 @!p0 $0xFFFFF086;
	s6 =	sadd.s32 @!p0 s3, s7;
	s7 =	simm.s32 @!p0 $0x108  }
0x21: {  	s3 =	sadd.s32 s3, s9;
	s6 =	sadd.s32 @!p0 $0x88, s6;
	s7 =	simm.s32 @p2 $0x1082  }
0x22: {  	[simem:s7], [sflag:s8] =	dma.local @!p0 [hbm:s6], $0xF7A  }
0x23: {  	s9 =	sor.u32 $0xD0000000, s2;
	s6 =	simm.s32 $0x108;
	_ =	swait.ge @!p0 [sflag:s8], $0x0  }
0x24: {  	s3 =	sadd.s32 $0x88, s3;
	s6 =	simm.s32 @!p1 $0x1082;
	[sflag:s4] =	ssyncset.s32 $0xFFFFF086  }
0x25: {  	[simem:s6], [sflag:s4] =	dma.local [hbm:s3], $0xF7A  }
0x26: {  	[smem:$0x3F9D] =	sst s1;
	(tag) =	ssettag s2;
	_ =	strace s9  }
0x27: {  	s1 =	sld [smem:$0x3FAD]  }
0x28: {  	s2 =	sld [smem:$0x3FAE]  }
0x29: {  	s4 =	sld [smem:$0x3FB0]  }
0x2a: {  	p0 =	seq.s32 s5, $0x0;
	s5 =	sld [smem:$0x3FB1]  }
0x2b: {  	s6 =	sld [smem:$0x3FB2]  }
0x2c: {  	s7 =	sld [smem:$0x3FB3]  }
0x2d: {  	s3 =	simm.s32 $0x108;
	s8 =	sld [smem:$0x3FB4]  }
0x2e: {  	s3 =	simm.s32 @!p0 $0x1082;
	s9 =	sld [smem:$0x3FB5]  }
0x2f: {  	lr =	sadd.s32 s0, s3;
	s0 =	sld [smem:$0x3FAC]  }
0x30: {  	s3 =	sld [smem:$0x3FAF]  }
0x31: {  	[smem:$0x3FB8] =	sst s10  }
0x32: {  	s10 =	sld [smem:$0x3FB6];
	_ =	sdelay $0x3  }
0x33: {  	p0 =	seq.s32 s10, $0x1;
	s10 =	sld [smem:$0x3FB8];
	_ =	sdelay $0x3  }
0x34: {  	[smem:$0x3FB8] =	sst s10  }
0x35: {  	s10 =	sld [smem:$0x3FB7];
	_ =	sdelay $0x3  }
0x36: {  	p1 =	seq.s32 s10, $0x1;
	s10 =	sld [smem:$0x3FB8];
	_ =	sdelay $0x3  }
0x37: {  	[smem:$0x3FB8] =	sst s10  }
0x38: {  	s10 =	sld [smem:$0x3FB9]  }
0x39: {  	_ = 	snop;
	(pc) =	sbr.ind lr, $3  }
0x3a: {  	_ = 	snop  }
0x3b: {  	_ = 	snop  }
0x3c: {  	p2 =	seq.s32 s10, $0x1;
	s10 =	sld [smem:$0x3FB8]  }
0x3d: {  	_ =	shalt  }
0x3e: {  	_ =	shalt  }
0x3f: {  	_ =	shalt  }
0x40: {  	_ =	shalt  }
0x41: {  	_ =	shalt  }
0x42: {  	_ =	shalt  }
0x43: {  	_ =	shalt  }
0x44: {  	_ =	shalt  }
0x45: {  	_ =	shalt  }
0x46: {  	_ =	shalt  }
0x47: {  	_ =	shalt  }
0x48: {  	_ =	shalt  }
0x49: {  	_ =	shalt  }
0x4a: {  	_ =	shalt  }
0x4b: {  	_ =	shalt  }
0x4c: {  	_ =	shalt  }
0x4d: {  	_ =	shalt  }
0x4e: {  	_ =	shalt  }
0x4f: {  	_ =	shalt  }
0x50: {  	_ =	shalt  }
0x51: {  	_ =	shalt  }
0x52: {  	_ =	shalt  }
0x53: {  	_ =	shalt  }
0x54: {  	_ =	shalt  }
0x55: {  	_ =	shalt  }
0x56: {  	_ =	shalt  }
0x57: {  	_ =	shalt  }
0x58: {  	_ =	shalt  }
0x59: {  	_ =	shalt  }
0x5a: {  	_ =	shalt  }
0x5b: {  	_ =	shalt  }
0x5c: {  	_ =	shalt  }
0x5d: {  	_ =	shalt  }
0x5e: {  	_ =	shalt  }
0x5f: {  	_ =	shalt  }
0x60: {  	_ =	shalt  }
0x61: {  	_ =	shalt  }
0x62: {  	_ =	shalt  }
0x63: {  	_ =	shalt  }
0x64: {  	_ =	shalt  }
0x65: {  	_ =	shalt  }
0x66: {  	_ =	shalt  }
0x67: {  	_ =	shalt  }
0x68: {  	_ =	shalt  }
0x69: {  	_ =	shalt  }
0x6a: {  	_ =	shalt  }
0x6b: {  	_ =	shalt  }
0x6c: {  	_ =	shalt  }
0x6d: {  	_ =	shalt  }
0x6e: {  	_ =	shalt  }
0x6f: {  	_ =	shalt  }
0x70: {  	_ =	shalt  }
0x71: {  	_ =	shalt  }
0x72: {  	_ =	shalt  }
0x73: {  	_ =	shalt  }
0x74: {  	_ =	shalt  }
0x75: {  	_ =	shalt  }
0x76: {  	_ =	shalt  }
0x77: {  	_ =	shalt  }
0x78: {  	_ =	shalt  }
0x79: {  	_ =	shalt  }
0x7a: {  	_ =	shalt  }
0x7b: {  	_ =	shalt  }
0x7c: {  	_ =	shalt  }
0x7d: {  	_ =	shalt  }
0x7e: {  	_ =	shalt  }
0x7f: {  	_ =	shalt  }
0x80: {  	_ =	shalt  }
0x81: {  	_ =	shalt  }
0x82: {  	_ =	shalt  }
0x83: {  	_ =	shalt  }
0x84: {  	_ =	shalt  }
0x85: {  	_ =	shalt  }
0x86: {  	_ =	shalt  }
0x87: {  	_ =	shalt  }
.Lfunc_end0:
.L_simem_size_0:
called_computation_lowered:
.L_overlay_start_0:
0x88: {  	s2 =	sld [smem:$0x3FD9]  }
0x89: {  	s3 =	sld [smem:$0x3FFE];
	_ =	sdelay $0x1  }
0x8a: {  	s1 =	srdreg.scid  }
0x8b: {  	s0 =	sand.u32 $0x1, s1  }
0x8c: {  	s16 =	sshll.u32 s0, $0xA;
	s2 =	sadd.s32 s3, s2  }
0x8d: {  	s2 =	sadd.s32 s2, s16  }
0x8e: {  	[smem:$0x3FC4] =	sst s2  }
0x8f: {  	_ = 	snop  }
0x90: {  	(tm) =	ssettm $0x1  }
0x91: {  	s17 =	sld [smem:$0x3FFB];
	_ =	sdelay $0x3  }
0x92: {  	_ =	strace s17  }
0x93: {  	s2 =	sld [smem:$0x3FFC];
	_ =	sdelay $0x3  }
0x94: {  	_ =	strace s2  }
0x95: {  	s2 =	sld [smem:$0x3FFD];
	_ =	sdelay $0x3  }
0x96: {  	_ =	strace s2  }
0x97: {  	_ =	strace $0x8FFFFFFF  }
0x98: {  	s18 =	sld [smem:$0x3FDB];
	_ =	sdelay $0x1  }
0x99: {  	s19 =	simm.s32 $_scs_section_size  }
0x9a: {  	s4 =	simm.s32 $_size__tile_overlayer_lowered;
	s5 =	simm.s32 $_tile_overlayer_lowered  }
0x9b: {  	s22 =	simm.s32 $0x1BFF;
	s21 =	sshll.u32 s5, $0x1;
	s2 =	sadd.s32 s19, s18  }
0x9c: {  	s6 =	simm.s32 $0x0;
	s20 =	sshll.u32 s4, $0x1;
	s4 =	sadd.s32 s21, s2  }
0x9d: {  	[timem:s6], [sflag:s22] =	dma.local [hbm:s4], s20  }
0x9e: {  	_ =	swait.ge [sflag:s22], s20  }
0x9f: {  	s3 =	ssub.s32 $0x0, s20;
	[sflag:s22] =	ssyncset.done $0x0  }
0xa0: {  	[sflag:s22] =	ssyncadd.s32 s3;
	_ =	sdelay $0x1  }
0xa1: {  	s23 =	simm.s32 $0x1B8B  }
0xa2: {  	_ =	swait.ge [sflag:s23], $0x1  }
0xa3: {  	[sflag:s23] =	ssyncset.done $0x0  }
0xa4: {  	s25 =	simm.s32 $0x1B8E;
	s24 =	sld [smem:$0x3FFE];
	[sflag:s23] =	ssyncadd.s32 $0xFFFFFFFF  }
0xa5: {  	s26 =	simm.s32 $execute0_lowered;
	[smem:$0x3FD2] =	sst s25  }
0xa6: {  	s4 =	sshll.u32 s26, $0x1;
	_ =	strace $0x80000046;
	[dreg:$0x1] =	wrdreg $0xFFFFFFFF  }
0xa7: {  	s28 =	simm.s32 $_size_execute0_lowered;
	s2 =	sadd.s32 s2, s4;
	[dreg:$0x0] =	wrdreg $0x0  }
0xa8: {  	s4 =	sshll.u32 s28, $0x1;
	[dreg:$0x2] =	wrdreg s2  }
0xa9: {  	[dreg:$0x3] =	wrdreg s4  }
0xaa: {  	[dreg:$0x4] =	wrdreg $0xC0  }
0xab: {  	_ =	task [dreg:s6], $0x5FFFF  }
0xac: {  	[dreg:$0x1] =	wrdreg $0xFFFFFFFF  }
0xad: {  	[dreg:$0x0] =	wrdreg $0x60  }
0xae: {  	[dreg:$0x2] =	wrdreg s24  }
0xaf: {  	[dreg:$0x3] =	wrdreg $0x9  }
0xb0: {  	_ =	task.clear_ibuf [dreg:s6], $0x4FFFF;
	_ =	strace $0x90000046  }
0xb1: {  	s29 =	simm.s32 $0x9;
	_ =	strace $0x80000048  }
0xb2: {  	_ =	swait.ge [sflag:s29], $0x1  }
0xb3: {  	[sflag:s29] =	ssyncadd.s32 $0xFFFFFFFF  }
0xb4: {  	_ =	strace $0x90000048  }
0xb5: {  	_ =	sfence  }
0xb6: {  	s30 =	sld [smem:$0x0];
	_ =	sdelay $0x2  }
0xb7: {  	s31 =	sshll.u32 s1, $0xD;
	s1 =	sshrl.u32 s1, $0x2  }
0xb8: {  	s3 =	sand.u32 $0x4000, s31;
	s1 =	sadd.s32 s1, s30  }
0xb9: {  	s0 =	sor.u32 s3, s0;
	s1 =	sshll.u32 s1, $0x11  }
0xba: {  	s0 =	sor.u32 s1, s0  }
0xbb: {  	s0 =	sadd.s32 $0x8F2B, s0  }
0xbc: {  	[sflag:s0] =	ssyncadd.remote.s32 $0x1  }
0xbd: {  	_ =	sfence.sel $0xFFFF  }
0xbe: {  	[dreg:$0x0] =	wrdreg $0xFFFFFFFF;
	(pc) =	sbr.abs _section_cstart, $3  }
0xbf: {  	[dreg:$0x1] =	wrdreg $0xFFFFFFFF  }
0xc0: {  	_ =	task.clear_ibuf [dreg:s6], $0x2FFFF;
	_ =	strace $0x9FFFFFFF  }
0xc1: {  	(tm) =	ssettm $0x7FFFFFFF  }
tec
execute0_lowered:
.L_overlay_start_1:
0x0: {  	(tag) =	ssettag $0x1  }
0x1: {  	s0 =	srdreg.scid  }
0x2: {  	s5 =	stileid.u32;
	s3 =	simm.s32 $0x1;
	s12 =	simm.s32 $0x3  }
0x3: {  	s14 =	simm.s32 $0x800;
	s15 =	simm.s32 $0xC210;
	s16 =	simm.s32 $0xE210  }
0x4: {  	s17 =	simm.s32 $0xEA10;
	s18 =	simm.s32 $0xF210;
	s19 =	simm.s32 $0xFA10  }
0x5: {  	s20 =	simm.s32 $0x10210;
	s21 =	simm.s32 $0x12210;
	s22 =	simm.s32 $0x12A10  }
0x6: {  	s23 =	simm.s32 $0x13210;
	s24 =	simm.s32 $0x13A10;
	s0 =	sand.u32 $0x1, s0  }
0x7: {  	s25 =	simm.s32 $0x2;
	s2 =	sand.u32 $0x1, s5;
	s1 =	sshll.u32 s0, $0x4  }
0x8: {  	s28 =	simm.s32 $0x0;
	p1 =	seq.s32 s2, $0x1;
	s1 =	sor.u32 s5, s1  }
0x9: {  	s2 =	rddreg [dreg:$0x0];
	s0 =	ssub.s32 $0x2, s0;
	p0 =	seq.s32 s1, $0x0  }
0xa: {  	s5 =	sshll.u32 s5, $0x9;
	s11 =	sshrl.u32 s0, $0x1;
	p0 =	por !p0, !p1  }
0xb: {  	s4 =	sshrl.u32 s1, $0x1;
	s5 =	sand.u32 $0x200, s5;
	p0 =	por !p0, !p0  }
0xc: {  	s1 =	sshll.u32 s1, $0x1;
	s0 =	ssub.s32 s0, s11;
	s3 =	simm.s32 @!p0 $0x0  }
0xd: {  	s1 =	sadd.s32 s1, s2;
	s10 =	ssub.s32 s4, s3;
	s3 =	simm.s32 $0x0  }
0xe: {  	s11 =	smax.u32 s0, $0x1;
	s4 =	smul.u32 $0xC000, s10;
	[smem:$0x7FF] =	sst s3  }
0xf: {  	s6 =	sshll.u32 s10, $0xA;
	s13 =	sshll.u32 s10, $0x12;
	s10 =	sadd.s32 $0x198800, s1  }
0x10: {  	_ =	strace $0x80000047;
	s5 =	sor.u32 s5, s6;
	s6 =	sadd.s32 $0x300000, s2  }
0x11: {  	s7 =	sshrl.u32 s4, $0x3;
	s4 =	simm.s32 $0x1;
	s5 =	sshrl.u32 s5, $0x3  }
0x12: {  	s8 =	sadd.s32 s7, s2;
	s9 =	sadd.s32 s5, s2;
	s7 =	sadd.s32 $0x100800, s2  }
0x13: {  	v1 =	vimm.s32 $0x0;
	v0 =	vmov s13;
	s5 =	sadd.s32 $0x80000, s2;
	s8 =	sadd.s32 $0x180800, s8;
	s9 =	sadd.s32 $0x100000, s9  }
.LBB2_1:
0x14: {  	[tilespmem:s3], [sflag:$0x3] =	stream.linear.gather [hbm4b:s8+s3], $0xC000, $0x38;
	[tilespmem:$0x14210] =	vst v63  }
0x15: {  	_ =	swait.ge [sflag:s12], $0xC000  }
0x16: {  	[sflag:s12] =	ssyncset.done $0x0  }
0x17: {  	s0 =	simm.s32 $0xC000;
	[sflag:s12] =	ssyncadd.s32 $0xFFFF4000  }
0x18: {  	[tilespmem:s0], [sflag:$0x3] =	stream.linear.gather [hbm4b:s9+s3], $0x200, $0x38;
	[tilespmem:$0x14210] =	vst v63  }
0x19: {  	_ =	swait.ge [sflag:s12], $0x200  }
0x1a: {  	[sflag:s12] =	ssyncset.done $0x0  }
0x1b: {  	[sflag:s12] =	ssyncadd.s32 $0xFFFFFE00  }
0x1c: {  	v2 =	vld [tilespmem:$0xC000]  }
0x1d: {  	s0 =	simm.s32 $0x0;
	v3 =	vld [tilespmem:$0xC010]  }
0x1e: {  	v6 =	vld [tilespmem:s0+$0x4000]  }
0x1f: {  	v7 =	vld [tilespmem:s0+$0x0]  }
0x20: {  	v4 =	vld [tilespmem:$0xC020]  }
0x21: {  	v8 =	vld [tilespmem:s0+$0x8000];
	_ =	sdelay $0x2  }
0x22: {  	v9 =	vmul.f32 v6, v3;
	v10 =	vmul.f32 v7, v2  }
0x23: {  	v5 =	vld [tilespmem:$0xC030]  }
0x24: {  	v9 =	vadd.f32 v9, v10;
	v10 =	vmul.f32 v8, v4;
	_ =	sdelay $0x1  }
0x25: {  	v9 =	vadd.f32 v10, v9;
	_ =	sdelay $0x1  }
0x26: {  	s1 =	simm.s32 $0x10;
	v9 =	vadd.f32 v9, v5  }
0x27: {  	v11 =	vld [tilespmem:s1+$0x0]  }
0x28: {  	v10 =	vld [tilespmem:s1+$0x4000];
	v9 =	vadd.f32 v9, v9;
	_ =	sdelay $0x1  }
0x29: {  	v13 =	vld [tilespmem:s1+$0x8000];
	v12 =	vmul.f32 v9, v3;
	v14 =	vmul.f32 v9, v2  }
0x2a: {  	v9 =	vmul.f32 v9, v4  }
0x2b: {  	v6 =	vsub.f32 v6, v12;
	v7 =	vsub.f32 v7, v14  }
0x2c: {  	v12 =	vmul.f32 v10, v3;
	v14 =	vmul.f32 v11, v2;
	v8 =	vsub.f32 v8, v9  }
0x2d: {  	v9 =	vadd.f32 $5.000000000e-01, v6;
	v15 =	vadd.f32 $5.000000000e-01, v7  }
0x2e: {  	v12 =	vadd.f32 v12, v14;
	v14 =	vmul.f32 v13, v4;
	v16 =	vadd.f32 $5.000000000e-01, v8  }
0x2f: {  	v9 =	vmul.f32 $6.400000000e+01, v9  }
0x30: {  	[tilespmem:s0+$0xCA10] =	vst v7;
	v15 =	vmul.f32 $6.400000000e+01, v15;
	v12 =	vadd.f32 v14, v12;
	v14 =	vmul.f32 $6.400000000e+01, v16  }
0x31: {  	[tilespmem:s0+$0xDA10] =	vst v8;
	v7 =	vtrunc.f32 v9  }
0x32: {  	s29 =	simm.s32 $0x20;
	[tilespmem:s0+$0xD210] =	vst v6;
	v8 =	vtrunc.f32 v15;
	v12 =	vadd.f32 v12, v5;
	v18 =	vtrunc.f32 v14  }
0x33: {  	v6 =	vld [tilespmem:s29+$0x4000];
	v16 =	vcvt.f32.s32 v7;
	v17 =	vcvt.f32.s32 v8;
	vm0 =	vlt.f32 v15, v8  }
0x34: {  	vm1 =	vlt.f32 v9, v7;
	v9 =	vadd.f32 v12, v12;
	v8 =	vsel vm0, $0xFFFFFFFF, v1  }
0x35: {  	v7 =	vld [tilespmem:s29+$0x0];
	vm14 =	vlt.f32 v14, v18;
	v12 =	vadd.s32 v17, v8;
	v17 =	vcvt.f32.s32 v18  }
0x36: {  	v8 =	vsel vm1, $0xFFFFFFFF, v1;
	v14 =	vmul.f32 v9, v2;
	v15 =	vmul.f32 v9, v3  }
0x37: {  	v16 =	vadd.s32 v16, v8;
	v8 =	vld [tilespmem:s29+$0x8000];
	v9 =	vmul.f32 v9, v4;
	v18 =	vshll.u32 v12, $0xC  }
0x38: {  	v12 =	vmul.f32 v6, v3;
	v11 =	vsub.f32 v11, v14;
	v14 =	vsub.f32 v10, v15  }
0x39: {  	v10 =	vshll.u32 v16, $0x6;
	v16 =	vsub.f32 v13, v9;
	v9 =	vsel vm14, $0xFFFFFFFF, v1  }
0x3a: {  	v13 =	vmul.f32 v7, v2;
	v9 =	vadd.s32 v17, v9;
	v15 =	vadd.f32 $5.000000000e-01, v14  }
0x3b: {  	v17 =	vadd.f32 $5.000000000e-01, v11;
	v10 =	vadd.s32 v10, v9;
	v9 =	vadd.f32 $5.000000000e-01, v16  }
0x3c: {  	v19 =	vadd.f32 v12, v13;
	v20 =	vmul.f32 v8, v4;
	v12 =	vmul.f32 $6.400000000e+01, v15  }
0x3d: {  	v18 =	vadd.s32 v18, v10;
	v13 =	vmul.f32 $6.400000000e+01, v17;
	v9 =	vmul.f32 $6.400000000e+01, v9  }
0x3e: {  	[tilespmem:s1+$0xCA10] =	vst v11;
	vm15 =	vgt.s32 v18, $0x0;
	v11 =	vadd.f32 v20, v19;
	v15 =	vtrunc.f32 v12  }
0x3f: {  	[tilespmem:s1+$0xDA10] =	vst v16;
	v16 =	vnsel vm15, $0x0, v18;
	v17 =	vtrunc.f32 v13;
	v10 =	vcvt.f32.s32 v15  }
0x40: {  	s13 =	simm.s32 $0xC0;
	[tilespmem:s1+$0xD210] =	vst v14;
	v18 =	vadd.f32 v11, v5;
	v14 =	vcvt.f32.s32 v17;
	v11 =	vtrunc.f32 v9  }
.LBB2_2:
0x41: {  	s26 =	sshra.s32 s13, $0x2;
	p0 =	sne.s32 s13, $0x1FC0;
	s13 =	sadd.s32 $0x40, s13;
	vm0 =	vlt.f32 v13, v17;
	vm1 =	vlt.f32 v12, v15;
	v12 =	vmin.u32 v16, $0x3FFFF  }
0x42: {  	v13 =	vld [tilespmem:s26+$0x4000];
	v15 =	vadd.f32 v18, v18;
	v16 =	vsel vm0, $0xFFFFFFFF, v1;
	v12 =	vor.u32 v0, v12  }
0x43: {  	vm0 =	vlt.f32 v9, v11;
	v17 =	vld [tilespmem:s26+$0x0];
	v14 =	vadd.s32 v14, v16;
	v16 =	vsel vm1, $0xFFFFFFFF, v1;
	[tilespmem:s0+$0xC210] =	vst v12;
	s0 =	smov.u32 s1;
	s1 =	smov.u32 s29;
	s29 =	smov.u32 s26  }
0x44: {  	v9 =	vmul.f32 v15, v2;
	v12 =	vmul.f32 v15, v3;
	v10 =	vadd.s32 v10, v16  }
0x45: {  	v11 =	vcvt.f32.s32 v11;
	v15 =	vmul.f32 v15, v4;
	v14 =	vshll.u32 v14, $0xC;
	v16 =	vld [tilespmem:s29+$0x8000]  }
0x46: {  	v10 =	vshll.u32 v10, $0x6;
	v9 =	vsub.f32 v7, v9;
	v18 =	vsub.f32 v6, v12  }
0x47: {  	v19 =	vsel vm0, $0xFFFFFFFF, v1;
	v20 =	vsub.f32 v8, v15;
	v12 =	vmul.f32 v13, v3;
	v6 =	vmovc v13  }
0x48: {  	v11 =	vadd.s32 v11, v19;
	v13 =	vmul.f32 v17, v2;
	v15 =	vadd.f32 $5.000000000e-01, v18;
	[tilespmem:s1+$0xCA10] =	vst v9;
	v7 =	vmovc v17  }
0x49: {  	v10 =	vadd.s32 v10, v11;
	v9 =	vadd.f32 $5.000000000e-01, v9;
	v17 =	vadd.f32 $5.000000000e-01, v20;
	[tilespmem:s1+$0xDA10] =	vst v20  }
.Ltmp0:
0x4a: {  	v11 =	vadd.f32 v12, v13;
	v19 =	vmul.f32 v16, v4;
	v12 =	vmul.f32 $6.400000000e+01, v15;
	[tilespmem:s1+$0xD210] =	vst v18;
	v8 =	vmovc v16;
	(pc) =	sbr.rel @p0 .LBB2_2-.Ltmp0, $4  }
0x4b: {  	v14 =	vadd.s32 v14, v10;
	v13 =	vmul.f32 $6.400000000e+01, v9;
	v9 =	vmul.f32 $6.400000000e+01, v17  }
0x4c: {  	vm0 =	vgt.s32 v14, $0x0;
	v11 =	vadd.f32 v19, v11;
	v15 =	vtrunc.f32 v12  }
0x4d: {  	v16 =	vnsel vm0, $0x0, v14;
	v17 =	vtrunc.f32 v13;
	v10 =	vcvt.f32.s32 v15  }
0x4e: {  	v14 =	vcvt.f32.s32 v17;
	v18 =	vadd.f32 v11, v5;
	v11 =	vtrunc.f32 v9  }
0x4f: {  	_ = 	snop  }
0x50: {  	v5 =	vadd.f32 v18, v18  }
0x51: {  	vm0 =	vlt.f32 v13, v17  }
0x52: {  	vm1 =	vlt.f32 v12, v15;
	v2 =	vmul.f32 v5, v2;
	v3 =	vmul.f32 v5, v3  }
0x53: {  	v44 =	vmin.u32 v16, $0x3FFFF;
	vm10 =	vlt.f32 v9, v11;
	v4 =	vmul.f32 v5, v4  }
0x54: {  	v50 =	vcvt.f32.s32 v11;
	v2 =	vsub.f32 v7, v2;
	v3 =	vsub.f32 v6, v3  }
0x55: {  	v13 =	vsel vm0, $0xFFFFFFFF, v1;
	v45 =	vor.u32 v0, v44;
	v4 =	vsub.f32 v8, v4  }
0x56: {  	v47 =	vsel vm1, $0xFFFFFFFF, v1;
	v48 =	vadd.f32 $5.000000000e-01, v3;
	v49 =	vadd.f32 $5.000000000e-01, v2  }
0x57: {  	v52 =	vsel vm10, $0xFFFFFFFF, v1;
	v46 =	vadd.s32 v14, v13;
	v51 =	vadd.f32 $5.000000000e-01, v4  }
0x58: {  	v7 =	vadd.s32 v10, v47;
	v8 =	vmul.f32 $6.400000000e+01, v48;
	v9 =	vmul.f32 $6.400000000e+01, v49  }
0x59: {  	v6 =	vshll.u32 v46, $0xC;
	v10 =	vadd.s32 v50, v52;
	v11 =	vmul.f32 $6.400000000e+01, v51  }
0x5a: {  	v7 =	vshll.u32 v7, $0x6;
	v53 =	vtrunc.f32 v8;
	v54 =	vtrunc.f32 v9  }
0x5b: {  	v7 =	vadd.s32 v7, v10;
	v57 =	vtrunc.f32 v11;
	v55 =	vcvt.f32.s32 v53  }
0x5c: {  	v56 =	vcvt.f32.s32 v54;
	vm11 =	vlt.f32 v9, v54;
	vm12 =	vlt.f32 v8, v53  }
0x5d: {  	vm13 =	vlt.f32 v11, v57;
	v58 =	vcvt.f32.s32 v57;
	v8 =	vsel vm12, $0xFFFFFFFF, v1  }
0x5e: {  	v59 =	vsel vm11, $0xFFFFFFFF, v1;
	v60 =	vsel vm13, $0xFFFFFFFF, v1;
	v8 =	vadd.s32 v55, v8  }
0x5f: {  	v11 =	vadd.s32 v56, v59;
	v9 =	vadd.s32 v58, v60;
	v8 =	vshll.u32 v8, $0x6  }
0x60: {  	v6 =	vadd.s32 v6, v7;
	v61 =	vshll.u32 v11, $0xC;
	v8 =	vadd.s32 v8, v9  }
0x61: {  	[tilespmem:s0+$0xC210] =	vst v45;
	vm14 =	vgt.s32 v6, $0x0;
	v62 =	vadd.s32 v61, v8  }
0x62: {  	[tilespmem:s29+$0xCA10] =	vst v2;
	v2 =	vnsel vm14, $0x0, v6;
	vm15 =	vgt.s32 v62, $0x0  }
0x63: {  	[tilespmem:s29+$0xDA10] =	vst v4;
	v2 =	vmin.u32 v2, $0x3FFFF;
	v63 =	vnsel vm15, $0x0, v62  }
0x64: {  	[tilespmem:s29+$0xD210] =	vst v3;
	v2 =	vor.u32 v0, v2;
	v3 =	vmin.u32 v63, $0x3FFFF  }
0x65: {  	[tilespmem:s1+$0xC210] =	vst v2;
	v2 =	vor.u32 v0, v3  }
0x66: {  	[tilespmem:s29+$0xC210] =	vst v2  }
0x67: {  	[tilespmem:s16], [sflag:$0x1] =	stream.indirect.gather [hbm4b:s5+s14], $0x1, s15, s14, $0xb8;
	[tilespmem:$0x14210] =	vst v63  }
0x68: {  	_ = 	snop  }
0x69: {  	[tilespmem:s17], [sflag:$0x1] =	stream.indirect.gather [hbm4b:s2+s14], $0x1, s15, s14, $0xb8;
	[tilespmem:$0x14210] =	vst v63  }
0x6a: {  	_ = 	snop  }
0x6b: {  	[tilespmem:s18], [sflag:$0x1] =	stream.indirect.gather [hbm4b:s6+s14], $0x1, s15, s14, $0xb8;
	[tilespmem:$0x14210] =	vst v63  }
0x6c: {  	s30 =	simm.s32 $0x1;
	s31 =	simm.s32 $0x0;
	s29 =	simm.s32 $0x0  }
0x6d: {  	v2 =	vimm.f32 $0.0e+00;
	[tilespmem:s19], [sflag:$0x1] =	stream.indirect.gather [hbm4b:s7+s14], $0x1, s15, s14, $0xb8;
	[tilespmem:$0x14210] =	vst v63  }
.LBB2_4:
0x6e: {  	s0 =	sand.u32 $0x3, s29  }
0x6f: {  	s1 =	sshll.u32 s31, $0x4;
	s0 =	sshll.u32 s0, $0xC  }
0x70: {  	s13 =	sand.u32 $0x1C0, s1;
	v7 =	vmov s0  }
0x71: {  	v4 =	vld [tilespmem:s13+$0xC000]  }
0x72: {  	v3 =	vld [tilespmem:s13+$0xC010]  }
0x73: {  	v5 =	vld [tilespmem:s13+$0xC020]  }
0x74: {  	v6 =	vld [tilespmem:s13+$0xC030];
	s13 =	simm.s32 $0x0  }
0x75: {  	s26 =	sand.u32 $0x3, s30;
	v8 =	vld.idx.msk [tilespmem:v7+s13+$0x4800 ss:$0x1], $0xffff  }
0x76: {  	s0 =	sshll.u32 s26, $0xC;
	s26 =	simm.s32 $0x40;
	v9 =	vld.idx.msk [tilespmem:v7+s13+$0x800 ss:$0x1], $0xffff  }
.LBB2_5:
0x77: {  	p0 =	sne.s32 s26, $0x1FC0  }
0x78: {  	v10 =	vld.idx.msk [tilespmem:v7+s13+$0x8800 ss:$0x1], $0xffff;
	_ =	sdelay $0x3  }
0x79: {  	v12 =	vmul.f32 v8, v3;
	v11 =	vmul.f32 v9, v4;
	_ =	sdelay $0x1  }
0x7a: {  	v11 =	vadd.f32 v12, v11;
	v12 =	vmul.f32 v10, v5;
	_ =	sdelay $0x1  }
0x7b: {  	v11 =	vadd.f32 v12, v11;
	_ =	sdelay $0x1  }
0x7c: {  	v11 =	vadd.f32 v11, v6;
	_ =	sdelay $0x1  }
0x7d: {  	v11 =	vadd.f32 v11, v11;
	_ =	sdelay $0x1  }
0x7e: {  	v12 =	vmul.f32 v11, v4;
	v13 =	vmul.f32 v11, v5  }
0x7f: {  	v11 =	vmul.f32 v11, v3  }
0x80: {  	v9 =	vsub.f32 v9, v12;
	v10 =	vsub.f32 v10, v13  }
0x81: {  	v8 =	vsub.f32 v8, v11  }
0x82: {  	v11 =	vadd.f32 $5.000000000e-01, v9;
	v12 =	vadd.f32 $5.000000000e-01, v10;
	[tilespmem:s13+$0x11A10] =	vst v10  }
0x83: {  	v10 =	vadd.f32 $5.000000000e-01, v8;
	[tilespmem:s13+$0x11210] =	vst v8  }
0x84: {  	v8 =	vmul.f32 $6.400000000e+01, v11;
	v11 =	vmul.f32 $6.400000000e+01, v12;
	[tilespmem:s13+$0x10A10] =	vst v9  }
0x85: {  	v9 =	vmul.f32 $6.400000000e+01, v10  }
0x86: {  	v10 =	vtrunc.f32 v8;
	v12 =	vtrunc.f32 v11  }
0x87: {  	v13 =	vcvt.f32.s32 v10;
	v14 =	vtrunc.f32 v9  }
0x88: {  	vm0 =	vlt.f32 v8, v10;
	v8 =	vcvt.f32.s32 v14;
	vm1 =	vlt.f32 v9, v14  }
0x89: {  	v10 =	vcvt.f32.s32 v12;
	v9 =	vsel vm1, $0xFFFFFFFF, v1;
	vm1 =	vlt.f32 v11, v12  }
0x8a: {  	v11 =	vsel vm0, $0xFFFFFFFF, v1;
	v8 =	vadd.s32 v8, v9;
	v9 =	vsel vm1, $0xFFFFFFFF, v1  }
0x8b: {  	v11 =	vadd.s32 v13, v11;
	v8 =	vshll.u32 v8, $0x6;
	v9 =	vadd.s32 v10, v9  }
0x8c: {  	v10 =	vshll.u32 v11, $0xC;
	v8 =	vadd.s32 v8, v9  }
0x8d: {  	v8 =	vadd.s32 v10, v8  }
0x8e: {  	vm0 =	vgt.s32 v8, $0x0  }
0x8f: {  	v8 =	vnsel vm0, $0x0, v8  }
.Ltmp1:
0x90: {  	v8 =	vmin.u32 v8, $0x3FFFF;
	(pc) =	sbr.rel @p0 .LBB2_5-.Ltmp1, $4  }
0x91: {  	v8 =	vor.u32 v0, v8  }
0x92: {  	[tilespmem:s13+$0x10210] =	vst v8;
	s13 =	sshra.s32 s26, $0x2  }
0x93: {  	v8 =	vld.idx.msk [tilespmem:v7+s13+$0x4800 ss:$0x1], $0xffff  }
0x94: {  	s26 =	sadd.s32 $0x40, s26;
	v9 =	vld.idx.msk [tilespmem:v7+s13+$0x800 ss:$0x1], $0xffff  }
0x95: {  	_ =	sdelay $0x3  }
0x96: {  	v7 =	vld.idx.msk [tilespmem:v7+s13+$0x8800 ss:$0x1], $0xffff;
	_ =	sdelay $0x2  }
0x97: {  	v11 =	vmul.f32 v8, v3;
	v10 =	vmul.f32 v9, v4;
	_ =	sdelay $0x1  }
0x98: {  	v10 =	vadd.f32 v11, v10;
	v11 =	vmul.f32 v7, v5;
	_ =	sdelay $0x1  }
0x99: {  	v10 =	vadd.f32 v11, v10;
	_ =	sdelay $0x1  }
0x9a: {  	v6 =	vadd.f32 v10, v6;
	_ =	sdelay $0x1  }
0x9b: {  	v6 =	vadd.f32 v6, v6;
	_ =	sdelay $0x1  }
0x9c: {  	v4 =	vmul.f32 v6, v4;
	v5 =	vmul.f32 v6, v5  }
0x9d: {  	v3 =	vmul.f32 v6, v3  }
0x9e: {  	v4 =	vsub.f32 v9, v4;
	v5 =	vsub.f32 v7, v5  }
0x9f: {  	v3 =	vsub.f32 v8, v3  }
0xa0: {  	v6 =	vadd.f32 $5.000000000e-01, v4;
	v7 =	vadd.f32 $5.000000000e-01, v5  }
0xa1: {  	v8 =	vadd.f32 $5.000000000e-01, v3  }
0xa2: {  	v6 =	vmul.f32 $6.400000000e+01, v6;
	v7 =	vmul.f32 $6.400000000e+01, v7  }
0xa3: {  	v8 =	vmul.f32 $6.400000000e+01, v8  }
0xa4: {  	v9 =	vtrunc.f32 v6;
	v10 =	vtrunc.f32 v7  }
0xa5: {  	v12 =	vtrunc.f32 v8;
	v11 =	vcvt.f32.s32 v9  }
0xa6: {  	vm0 =	vlt.f32 v6, v9;
	v6 =	vcvt.f32.s32 v12;
	vm1 =	vlt.f32 v8, v12  }
0xa7: {  	v9 =	vcvt.f32.s32 v10;
	vm14 =	vlt.f32 v7, v10;
	v8 =	vsel vm1, $0xFFFFFFFF, v1  }
0xa8: {  	v7 =	vsel vm0, $0xFFFFFFFF, v1;
	v6 =	vadd.s32 v6, v8;
	v8 =	vsel vm14, $0xFFFFFFFF, v1  }
0xa9: {  	v7 =	vadd.s32 v11, v7;
	v6 =	vshll.u32 v6, $0x6;
	v8 =	vadd.s32 v9, v8  }
0xaa: {  	v7 =	vshll.u32 v7, $0xC;
	v6 =	vadd.s32 v6, v8  }
0xab: {  	v6 =	vadd.s32 v7, v6  }
0xac: {  	vm15 =	vgt.s32 v6, $0x0  }
0xad: {  	[tilespmem:s13+$0x11A10] =	vst v5;
	v5 =	vnsel vm15, $0x0, v6  }
0xae: {  	[tilespmem:s13+$0x11210] =	vst v3;
	v3 =	vmin.u32 v5, $0x3FFFF  }
0xaf: {  	[tilespmem:s13+$0x10A10] =	vst v4;
	v3 =	vor.u32 v0, v3  }
0xb0: {  	[tilespmem:s13+$0x10210] =	vst v3  }
0xb1: {  	[tilespmem:s21], [sflag:$0x2] =	stream.indirect.gather [hbm4b:s5+s14], $0x1, s20, s14, $0xb8;
	[tilespmem:$0x14210] =	vst v63  }
0xb2: {  	_ = 	snop  }
0xb3: {  	[tilespmem:s22], [sflag:$0x2] =	stream.indirect.gather [hbm4b:s2+s14], $0x1, s20, s14, $0xb8;
	[tilespmem:$0x14210] =	vst v63  }
0xb4: {  	_ = 	snop  }
0xb5: {  	[tilespmem:s23], [sflag:$0x2] =	stream.indirect.gather [hbm4b:s6+s14], $0x1, s20, s14, $0xb8;
	[tilespmem:$0x14210] =	vst v63  }
0xb6: {  	_ = 	snop  }
0xb7: {  	[tilespmem:s24], [sflag:$0x2] =	stream.indirect.gather [hbm4b:s7+s14], $0x1, s20, s14, $0xb8;
	[tilespmem:$0x14210] =	vst v63  }
0xb8: {  	_ =	swait.ge [sflag:s4], $0x800  }
0xb9: {  	[sflag:s4] =	ssyncset.done $0x0  }
0xba: {  	[sflag:s4] =	ssyncadd.s32 $0xFFFFF800  }
0xbb: {  	_ =	swait.ge [sflag:s4], $0x800  }
0xbc: {  	[sflag:s4] =	ssyncset.done $0x0  }
0xbd: {  	[sflag:s4] =	ssyncadd.s32 $0xFFFFF800  }
0xbe: {  	_ =	swait.ge [sflag:s4], $0x800  }
0xbf: {  	[sflag:s4] =	ssyncset.done $0x0  }
0xc0: {  	[sflag:s4] =	ssyncadd.s32 $0xFFFFF800  }
0xc1: {  	_ =	swait.ge [sflag:s4], $0x800  }
0xc2: {  	[sflag:s4] =	ssyncset.done $0x0  }
0xc3: {  	s13 =	simm.s32 $0x0;
	[sflag:s4] =	ssyncadd.s32 $0xFFFFF800  }
0xc4: {  	v3 =	vld [tilespmem:s13+$0xCA10]  }
0xc5: {  	v4 =	vld [tilespmem:s13+$0xE210]  }
0xc6: {  	v5 =	vld [tilespmem:s13+$0xD210]  }
0xc7: {  	v6 =	vld [tilespmem:s13+$0xEA10]  }
0xc8: {  	v7 =	vld [tilespmem:s13+$0xDA10]  }
0xc9: {  	v8 =	vld [tilespmem:s13+$0xF210]  }
0xca: {  	s26 =	simm.s32 $0x10;
	v9 =	vld [tilespmem:s13+$0xFA10]  }
0xcb: {  	v10 =	vld [tilespmem:s26+$0xCA10]  }
0xcc: {  	v11 =	vld [tilespmem:s26+$0xE210];
	v3 =	vsub.f32 v3, v4;
	v4 =	vsub.f32 v5, v6  }
0xcd: {  	v63 =	vld [tilespmem:s26+$0xD210]  }
0xce: {  	v13 =	vld [tilespmem:s26+$0xEA10];
	v6 =	vsub.f32 v7, v8;
	v7 =	vmul.f32 v3, v3;
	v4 =	vmul.f32 v4, v4  }
0xcf: {  	v5 =	vld [tilespmem:s26+$0xF210]  }
0xd0: {  	v8 =	vsub.f32 $1.000000000e+00, v9;
	v3 =	vld [tilespmem:s26+$0xDA10];
	v6 =	vmul.f32 v6, v6;
	v9 =	vadd.f32 v4, v7  }
0xd1: {  	s13 =	simm.s32 $0x20;
	v4 =	vld [tilespmem:s26+$0xFA10]  }
0xd2: {  	v14 =	vmul.f32 v8, v8;
	v7 =	vld [tilespmem:s13+$0xCA10];
	v9 =	vadd.f32 v6, v9  }
0xd3: {  	v10 =	vsub.f32 v10, v11;
	v11 =	vsub.f32 v63, v13;
	v8 =	vld [tilespmem:s13+$0xD210]  }
0xd4: {  	s26 =	simm.s32 $0xC0;
	v6 =	vld [tilespmem:s13+$0xE210];
	v9 =	vmul.f32 v14, v9  }
.LBB2_7:
0xd5: {  	p0 =	sne.s32 s26, $0x1FC0;
	v12 =	vld [tilespmem:s13+$0xEA10];
	v14 =	vsub.f32 v3, v5;
	v10 =	vmul.f32 v10, v10;
	v11 =	vmul.f32 v11, v11  }
0xd6: {  	v3 =	vld [tilespmem:s13+$0xDA10];
	v2 =	vadd.f32 v9, v2  }
.Ltmp2:
0xd7: {  	v9 =	vsub.f32 $1.000000000e+00, v4;
	v5 =	vld [tilespmem:s13+$0xF210];
	v10 =	vadd.f32 v11, v10;
	v11 =	vmul.f32 v14, v14;
	v13 =	vmovc v7;
	(pc) =	sbr.rel @p0 .LBB2_7-.Ltmp2, $4  }
0xd8: {  	v4 =	vld [tilespmem:s13+$0xFA10];
	s13 =	sshra.s32 s26, $0x2  }
0xd9: {  	v9 =	vmul.f32 v9, v9;
	v7 =	vld [tilespmem:s13+$0xCA10];
	v14 =	vadd.f32 v11, v10  }
0xda: {  	v10 =	vsub.f32 v13, v6;
	v6 =	vld [tilespmem:s13+$0xE210];
	v11 =	vsub.f32 v8, v12  }
0xdb: {  	s26 =	sadd.s32 $0x40, s26;
	v8 =	vld [tilespmem:s13+$0xD210];
	v9 =	vmul.f32 v9, v14  }
0xdc: {  	v12 =	vld [tilespmem:s13+$0xEA10]  }
0xdd: {  	v13 =	vld [tilespmem:s13+$0xDA10]  }
0xde: {  	v14 =	vld [tilespmem:s13+$0xF210]  }
0xdf: {  	v15 =	vld [tilespmem:s13+$0xFA10]  }
0xe0: {  	v3 =	vsub.f32 v3, v5;
	v5 =	vmul.f32 v10, v10;
	v10 =	vmul.f32 v11, v11  }
0xe1: {  	v6 =	vsub.f32 v7, v6;
	v7 =	vsub.f32 v8, v12  }
0xe2: {  	v4 =	vsub.f32 $1.000000000e+00, v4;
	v5 =	vadd.f32 v10, v5;
	v3 =	vmul.f32 v3, v3  }
0xe3: {  	v8 =	vsub.f32 v13, v14;
	v6 =	vmul.f32 v6, v6;
	v7 =	vmul.f32 v7, v7  }
0xe4: {  	s1 =	sadd.s32 $0x10, s1;
	v4 =	vmul.f32 v4, v4;
	v5 =	vadd.f32 v3, v5;
	v10 =	vsub.f32 $1.000000000e+00, v15  }
0xe5: {  	s1 =	sand.u32 $0x3C0, s1;
	v8 =	vmul.f32 v8, v8;
	v7 =	vadd.f32 v7, v6;
	v6 =	vmov s0  }
0xe6: {  	v2 =	vadd.f32 v9, v2;
	v3 =	vld [tilespmem:s1+$0xC000]  }
0xe7: {  	v9 =	vmul.f32 v4, v5;
	v4 =	vld [tilespmem:s1+$0xC010];
	v7 =	vadd.f32 v8, v7;
	v8 =	vmul.f32 v10, v10  }
0xe8: {  	v5 =	vld [tilespmem:s1+$0xC020]  }
0xe9: {  	v2 =	vadd.f32 v9, v2;
	s0 =	simm.s32 $0x0;
	v9 =	vmul.f32 v8, v7;
	v7 =	vld [tilespmem:s1+$0xC030]  }
0xea: {  	v8 =	vld.idx.msk [tilespmem:v6+s0+$0x4000 ss:$0x1], $0xffff  }
0xeb: {  	s1 =	simm.s32 $0x40;
	v2 =	vadd.f32 v9, v2;
	v9 =	vld.idx.msk [tilespmem:v6+s0+$0x0 ss:$0x1], $0xffff  }
.LBB2_9:
0xec: {  	p0 =	sne.s32 s1, $0x1FC0  }
0xed: {  	v10 =	vld.idx.msk [tilespmem:v6+s0+$0x8000 ss:$0x1], $0xffff;
	_ =	sdelay $0x3  }
0xee: {  	v12 =	vmul.f32 v8, v4;
	v11 =	vmul.f32 v9, v3;
	_ =	sdelay $0x1  }
0xef: {  	v11 =	vadd.f32 v12, v11;
	v12 =	vmul.f32 v10, v5;
	_ =	sdelay $0x1  }
0xf0: {  	v11 =	vadd.f32 v12, v11;
	_ =	sdelay $0x1  }
0xf1: {  	v11 =	vadd.f32 v11, v7;
	_ =	sdelay $0x1  }
0xf2: {  	v11 =	vadd.f32 v11, v11;
	_ =	sdelay $0x1  }
0xf3: {  	v12 =	vmul.f32 v11, v3;
	v13 =	vmul.f32 v11, v5  }
0xf4: {  	v11 =	vmul.f32 v11, v4  }
0xf5: {  	v9 =	vsub.f32 v9, v12;
	v10 =	vsub.f32 v10, v13  }
0xf6: {  	v8 =	vsub.f32 v8, v11  }
0xf7: {  	v11 =	vadd.f32 $5.000000000e-01, v9;
	v12 =	vadd.f32 $5.000000000e-01, v10;
	[tilespmem:s0+$0xDA10] =	vst v10  }
0xf8: {  	v10 =	vadd.f32 $5.000000000e-01, v8;
	[tilespmem:s0+$0xD210] =	vst v8  }
0xf9: {  	v8 =	vmul.f32 $6.400000000e+01, v11;
	v11 =	vmul.f32 $6.400000000e+01, v12;
	[tilespmem:s0+$0xCA10] =	vst v9  }
0xfa: {  	v9 =	vmul.f32 $6.400000000e+01, v10  }
0xfb: {  	v10 =	vtrunc.f32 v8;
	v12 =	vtrunc.f32 v11  }
0xfc: {  	v13 =	vcvt.f32.s32 v10;
	v14 =	vtrunc.f32 v9  }
0xfd: {  	vm0 =	vlt.f32 v8, v10;
	v8 =	vcvt.f32.s32 v14;
	vm1 =	vlt.f32 v9, v14  }
0xfe: {  	v10 =	vcvt.f32.s32 v12;
	v9 =	vsel vm1, $0xFFFFFFFF, v1;
	vm1 =	vlt.f32 v11, v12  }
0xff: {  	v11 =	vsel vm0, $0xFFFFFFFF, v1;
	v8 =	vadd.s32 v8, v9;
	v9 =	vsel vm1, $0xFFFFFFFF, v1  }
0x100: {  	v11 =	vadd.s32 v13, v11;
	v8 =	vshll.u32 v8, $0x6;
	v9 =	vadd.s32 v10, v9  }
0x101: {  	v10 =	vshll.u32 v11, $0xC;
	v8 =	vadd.s32 v8, v9  }
0x102: {  	v8 =	vadd.s32 v10, v8  }
0x103: {  	vm0 =	vgt.s32 v8, $0x0  }
0x104: {  	v8 =	vnsel vm0, $0x0, v8  }
.Ltmp3:
0x105: {  	v8 =	vmin.u32 v8, $0x3FFFF;
	(pc) =	sbr.rel @p0 .LBB2_9-.Ltmp3, $4  }
0x106: {  	v8 =	vor.u32 v0, v8  }
0x107: {  	[tilespmem:s0+$0xC210] =	vst v8;
	s0 =	sshra.s32 s1, $0x2  }
0x108: {  	v8 =	vld.idx.msk [tilespmem:v6+s0+$0x4000 ss:$0x1], $0xffff  }
0x109: {  	s1 =	sadd.s32 $0x40, s1;
	v9 =	vld.idx.msk [tilespmem:v6+s0+$0x0 ss:$0x1], $0xffff  }
0x10a: {  	_ =	sdelay $0x3  }
0x10b: {  	v6 =	vld.idx.msk [tilespmem:v6+s0+$0x8000 ss:$0x1], $0xffff;
	_ =	sdelay $0x2  }
0x10c: {  	v11 =	vmul.f32 v8, v4;
	v10 =	vmul.f32 v9, v3;
	_ =	sdelay $0x1  }
0x10d: {  	v10 =	vadd.f32 v11, v10;
	v11 =	vmul.f32 v6, v5;
	_ =	sdelay $0x1  }
0x10e: {  	v10 =	vadd.f32 v11, v10;
	_ =	sdelay $0x1  }
0x10f: {  	v7 =	vadd.f32 v10, v7;
	_ =	sdelay $0x1  }
0x110: {  	v7 =	vadd.f32 v7, v7;
	_ =	sdelay $0x1  }
0x111: {  	v3 =	vmul.f32 v7, v3;
	v5 =	vmul.f32 v7, v5  }
0x112: {  	v4 =	vmul.f32 v7, v4  }
0x113: {  	v3 =	vsub.f32 v9, v3;
	v5 =	vsub.f32 v6, v5  }
0x114: {  	v4 =	vsub.f32 v8, v4  }
0x115: {  	v6 =	vadd.f32 $5.000000000e-01, v3;
	v7 =	vadd.f32 $5.000000000e-01, v5  }
0x116: {  	v8 =	vadd.f32 $5.000000000e-01, v4  }
0x117: {  	v6 =	vmul.f32 $6.400000000e+01, v6;
	v7 =	vmul.f32 $6.400000000e+01, v7  }
0x118: {  	v8 =	vmul.f32 $6.400000000e+01, v8  }
0x119: {  	v9 =	vtrunc.f32 v6;
	v10 =	vtrunc.f32 v7  }
0x11a: {  	v12 =	vtrunc.f32 v8;
	v11 =	vcvt.f32.s32 v9  }
0x11b: {  	vm0 =	vlt.f32 v6, v9;
	v6 =	vcvt.f32.s32 v12;
	vm1 =	vlt.f32 v8, v12  }
0x11c: {  	v9 =	vcvt.f32.s32 v10;
	vm14 =	vlt.f32 v7, v10;
	v8 =	vsel vm1, $0xFFFFFFFF, v1  }
0x11d: {  	v7 =	vsel vm0, $0xFFFFFFFF, v1;
	v6 =	vadd.s32 v6, v8;
	v8 =	vsel vm14, $0xFFFFFFFF, v1  }
0x11e: {  	v7 =	vadd.s32 v11, v7;
	v6 =	vshll.u32 v6, $0x6;
	v8 =	vadd.s32 v9, v8  }
0x11f: {  	v7 =	vshll.u32 v7, $0xC;
	v6 =	vadd.s32 v6, v8  }
0x120: {  	v6 =	vadd.s32 v7, v6  }
0x121: {  	vm15 =	vgt.s32 v6, $0x0  }
0x122: {  	[tilespmem:s0+$0xDA10] =	vst v5;
	v5 =	vnsel vm15, $0x0, v6  }
0x123: {  	[tilespmem:s0+$0xD210] =	vst v4;
	v4 =	vmin.u32 v5, $0x3FFFF  }
0x124: {  	[tilespmem:s0+$0xCA10] =	vst v3;
	v3 =	vor.u32 v0, v4  }
0x125: {  	[tilespmem:s0+$0xC210] =	vst v3  }
0x126: {  	[tilespmem:s16], [sflag:$0x1] =	stream.indirect.gather [hbm4b:s5+s14], $0x1, s15, s14, $0xb8;
	[tilespmem:$0x14210] =	vst v63  }
0x127: {  	_ = 	snop  }
0x128: {  	[tilespmem:s17], [sflag:$0x1] =	stream.indirect.gather [hbm4b:s2+s14], $0x1, s15, s14, $0xb8;
	[tilespmem:$0x14210] =	vst v63  }
0x129: {  	_ = 	snop  }
0x12a: {  	[tilespmem:s18], [sflag:$0x1] =	stream.indirect.gather [hbm4b:s6+s14], $0x1, s15, s14, $0xb8;
	[tilespmem:$0x14210] =	vst v63  }
0x12b: {  	_ = 	snop  }
0x12c: {  	[tilespmem:s19], [sflag:$0x1] =	stream.indirect.gather [hbm4b:s7+s14], $0x1, s15, s14, $0xb8;
	[tilespmem:$0x14210] =	vst v63  }
0x12d: {  	_ =	swait.ge [sflag:s25], $0x800  }
0x12e: {  	[sflag:s25] =	ssyncset.done $0x0  }
0x12f: {  	[sflag:s25] =	ssyncadd.s32 $0xFFFFF800  }
0x130: {  	_ =	swait.ge [sflag:s25], $0x800  }
0x131: {  	[sflag:s25] =	ssyncset.done $0x0  }
0x132: {  	[sflag:s25] =	ssyncadd.s32 $0xFFFFF800  }
0x133: {  	_ =	swait.ge [sflag:s25], $0x800  }
0x134: {  	[sflag:s25] =	ssyncset.done $0x0  }
0x135: {  	[sflag:s25] =	ssyncadd.s32 $0xFFFFF800  }
0x136: {  	_ =	swait.ge [sflag:s25], $0x800  }
0x137: {  	[sflag:s25] =	ssyncset.done $0x0  }
0x138: {  	s26 =	simm.s32 $0x0;
	[sflag:s25] =	ssyncadd.s32 $0xFFFFF800  }
0x139: {  	v3 =	vld [tilespmem:s26+$0x10A10]  }
0x13a: {  	v4 =	vld [tilespmem:s26+$0x12210]  }
0x13b: {  	v5 =	vld [tilespmem:s26+$0x11210]  }
0x13c: {  	v6 =	vld [tilespmem:s26+$0x12A10]  }
0x13d: {  	v7 =	vld [tilespmem:s26+$0x11A10]  }
0x13e: {  	v8 =	vld [tilespmem:s26+$0x13210]  }
0x13f: {  	s1 =	simm.s32 $0x10;
	v9 =	vld [tilespmem:s26+$0x13A10]  }
0x140: {  	v10 =	vld [tilespmem:s1+$0x10A10]  }
0x141: {  	v11 =	vld [tilespmem:s1+$0x12210];
	v3 =	vsub.f32 v3, v4;
	v4 =	vsub.f32 v5, v6  }
0x142: {  	v63 =	vld [tilespmem:s1+$0x11210]  }
0x143: {  	v13 =	vld [tilespmem:s1+$0x12A10];
	v5 =	vsub.f32 v7, v8;
	v7 =	vmul.f32 v3, v3;
	v4 =	vmul.f32 v4, v4  }
0x144: {  	v6 =	vld [tilespmem:s1+$0x13210]  }
0x145: {  	v8 =	vsub.f32 $1.000000000e+00, v9;
	v3 =	vld [tilespmem:s1+$0x11A10];
	v5 =	vmul.f32 v5, v5;
	v9 =	vadd.f32 v4, v7  }
0x146: {  	s0 =	simm.s32 $0x20;
	v4 =	vld [tilespmem:s1+$0x13A10]  }
0x147: {  	v14 =	vmul.f32 v8, v8;
	v7 =	vld [tilespmem:s0+$0x10A10];
	v9 =	vadd.f32 v5, v9  }
0x148: {  	v10 =	vsub.f32 v10, v11;
	v11 =	vsub.f32 v63, v13;
	v8 =	vld [tilespmem:s0+$0x11210]  }
0x149: {  	s1 =	simm.s32 $0xC0;
	v5 =	vld [tilespmem:s0+$0x12210];
	v9 =	vmul.f32 v14, v9  }
.LBB2_11:
0x14a: {  	p0 =	sne.s32 s1, $0x1FC0;
	v12 =	vld [tilespmem:s0+$0x12A10];
	v14 =	vsub.f32 v3, v6;
	v10 =	vmul.f32 v10, v10;
	v11 =	vmul.f32 v11, v11  }
0x14b: {  	v3 =	vld [tilespmem:s0+$0x11A10];
	v2 =	vadd.f32 v9, v2  }
.Ltmp4:
0x14c: {  	v9 =	vsub.f32 $1.000000000e+00, v4;
	v6 =	vld [tilespmem:s0+$0x13210];
	v10 =	vadd.f32 v11, v10;
	v11 =	vmul.f32 v14, v14;
	v13 =	vmovc v7;
	(pc) =	sbr.rel @p0 .LBB2_11-.Ltmp4, $4  }
0x14d: {  	v4 =	vld [tilespmem:s0+$0x13A10];
	s0 =	sshra.s32 s1, $0x2  }
0x14e: {  	v9 =	vmul.f32 v9, v9;
	v7 =	vld [tilespmem:s0+$0x10A10];
	v14 =	vadd.f32 v11, v10  }
0x14f: {  	v10 =	vsub.f32 v13, v5;
	v5 =	vld [tilespmem:s0+$0x12210];
	v11 =	vsub.f32 v8, v12  }
0x150: {  	s1 =	sadd.s32 $0x40, s1;
	v8 =	vld [tilespmem:s0+$0x11210];
	v9 =	vmul.f32 v9, v14  }
0x151: {  	v12 =	vld [tilespmem:s0+$0x12A10]  }
0x152: {  	v13 =	vld [tilespmem:s0+$0x11A10]  }
0x153: {  	v14 =	vld [tilespmem:s0+$0x13210];
	_ =	sdelay $0x1  }
0x154: {  	v3 =	vsub.f32 v3, v6;
	v55 =	vmul.f32 v10, v10;
	v56 =	vmul.f32 v11, v11;
	v57 =	vld [tilespmem:s0+$0x13A10]  }
0x155: {  	v5 =	vsub.f32 v7, v5;
	v58 =	vsub.f32 v8, v12  }
0x156: {  	v4 =	vsub.f32 $1.000000000e+00, v4;
	v6 =	vadd.f32 v56, v55;
	v3 =	vmul.f32 v3, v3  }
0x157: {  	v59 =	vsub.f32 v13, v14;
	v5 =	vmul.f32 v5, v5;
	v7 =	vmul.f32 v58, v58  }
0x158: {  	v4 =	vmul.f32 v4, v4;
	v3 =	vadd.f32 v3, v6  }
0x159: {  	s31 =	sadd.s32 $0x1, s31;
	v60 =	vsub.f32 $1.000000000e+00, v57;
	v61 =	vmul.f32 v59, v59;
	v5 =	vadd.f32 v7, v5  }
0x15a: {  	v2 =	vadd.f32 v9, v2;
	p0 =	sne.s32 s31, $0x1F  }
.Ltmp5:
0x15b: {  	v3 =	vmul.f32 v4, v3;
	v63 =	vmul.f32 v60, v60;
	v62 =	vadd.f32 v61, v5;
	(pc) =	sbr.rel @p0 .LBB2_4-.Ltmp5, $3  }
0x15c: {  	_ = 	snop  }
0x15d: {  	v2 =	vadd.f32 v3, v2;
	v3 =	vmul.f32 v63, v62;
	_ =	sdelay $0x1  }
0x15e: {  	s29 =	sadd.s32 $0x1, s29;
	s30 =	sadd.s32 $0x1, s30;
	v2 =	vadd.f32 v3, v2  }
0x15f: {  	v3 =	vld [tilespmem:$0xC1C0]  }
0x160: {  	v4 =	vld [tilespmem:$0xC1D0];
	s0 =	simm.s32 $0x0  }
0x161: {  	v7 =	vld [tilespmem:s0+$0x7800]  }
0x162: {  	v8 =	vld [tilespmem:s0+$0x3800]  }
0x163: {  	v5 =	vld [tilespmem:$0xC1E0]  }
0x164: {  	v9 =	vld [tilespmem:s0+$0xB800];
	_ =	sdelay $0x2  }
0x165: {  	v10 =	vmul.f32 v7, v4;
	v11 =	vmul.f32 v8, v3  }
0x166: {  	v6 =	vld [tilespmem:$0xC1F0]  }
0x167: {  	v10 =	vadd.f32 v10, v11;
	v11 =	vmul.f32 v9, v5;
	_ =	sdelay $0x1  }
0x168: {  	v10 =	vadd.f32 v11, v10;
	_ =	sdelay $0x1  }
0x169: {  	s1 =	simm.s32 $0x10;
	v10 =	vadd.f32 v10, v6  }
0x16a: {  	v12 =	vld [tilespmem:s1+$0x3800]  }
0x16b: {  	v11 =	vld [tilespmem:s1+$0x7800];
	v10 =	vadd.f32 v10, v10;
	_ =	sdelay $0x1  }
0x16c: {  	v14 =	vld [tilespmem:s1+$0xB800];
	v13 =	vmul.f32 v10, v4;
	v15 =	vmul.f32 v10, v3  }
0x16d: {  	v10 =	vmul.f32 v10, v5  }
0x16e: {  	v7 =	vsub.f32 v7, v13;
	v8 =	vsub.f32 v8, v15  }
0x16f: {  	v13 =	vmul.f32 v11, v4;
	v15 =	vmul.f32 v12, v3;
	v9 =	vsub.f32 v9, v10  }
0x170: {  	v10 =	vadd.f32 $5.000000000e-01, v7;
	v16 =	vadd.f32 $5.000000000e-01, v8  }
0x171: {  	v13 =	vadd.f32 v13, v15;
	v15 =	vmul.f32 v14, v5;
	v17 =	vadd.f32 $5.000000000e-01, v9  }
0x172: {  	v10 =	vmul.f32 $6.400000000e+01, v10  }
0x173: {  	[tilespmem:s0+$0x10A10] =	vst v8;
	v16 =	vmul.f32 $6.400000000e+01, v16;
	v13 =	vadd.f32 v15, v13;
	v15 =	vmul.f32 $6.400000000e+01, v17  }
0x174: {  	[tilespmem:s0+$0x11A10] =	vst v9;
	v8 =	vtrunc.f32 v10  }
0x175: {  	s29 =	simm.s32 $0x20;
	[tilespmem:s0+$0x11210] =	vst v7;
	v9 =	vtrunc.f32 v16;
	v13 =	vadd.f32 v13, v6;
	v19 =	vtrunc.f32 v15  }
0x176: {  	v7 =	vld [tilespmem:s29+$0x7800];
	v17 =	vcvt.f32.s32 v8;
	v18 =	vcvt.f32.s32 v9;
	vm0 =	vlt.f32 v16, v9  }
0x177: {  	vm1 =	vlt.f32 v10, v8;
	v10 =	vadd.f32 v13, v13;
	v9 =	vsel vm0, $0xFFFFFFFF, v1  }
0x178: {  	v8 =	vld [tilespmem:s29+$0x3800];
	vm14 =	vlt.f32 v15, v19;
	v13 =	vadd.s32 v18, v9;
	v18 =	vcvt.f32.s32 v19  }
0x179: {  	v9 =	vsel vm1, $0xFFFFFFFF, v1;
	v15 =	vmul.f32 v10, v3;
	v16 =	vmul.f32 v10, v4  }
0x17a: {  	v17 =	vadd.s32 v17, v9;
	v9 =	vld [tilespmem:s29+$0xB800];
	v10 =	vmul.f32 v10, v5;
	v19 =	vshll.u32 v13, $0xC  }
0x17b: {  	v13 =	vmul.f32 v7, v4;
	v12 =	vsub.f32 v12, v15;
	v15 =	vsub.f32 v11, v16  }
0x17c: {  	v11 =	vshll.u32 v17, $0x6;
	v17 =	vsub.f32 v14, v10;
	v10 =	vsel vm14, $0xFFFFFFFF, v1  }
0x17d: {  	v14 =	vmul.f32 v8, v3;
	v10 =	vadd.s32 v18, v10;
	v16 =	vadd.f32 $5.000000000e-01, v15  }
0x17e: {  	v18 =	vadd.f32 $5.000000000e-01, v12;
	v11 =	vadd.s32 v11, v10;
	v10 =	vadd.f32 $5.000000000e-01, v17  }
0x17f: {  	v20 =	vadd.f32 v13, v14;
	v21 =	vmul.f32 v9, v5;
	v13 =	vmul.f32 $6.400000000e+01, v16  }
0x180: {  	v19 =	vadd.s32 v19, v11;
	v14 =	vmul.f32 $6.400000000e+01, v18;
	v10 =	vmul.f32 $6.400000000e+01, v10  }
0x181: {  	[tilespmem:s1+$0x10A10] =	vst v12;
	vm15 =	vgt.s32 v19, $0x0;
	v12 =	vadd.f32 v21, v20;
	v16 =	vtrunc.f32 v13  }
0x182: {  	[tilespmem:s1+$0x11A10] =	vst v17;
	v17 =	vnsel vm15, $0x0, v19;
	v18 =	vtrunc.f32 v14;
	v11 =	vcvt.f32.s32 v16  }
0x183: {  	s13 =	simm.s32 $0xC0;
	[tilespmem:s1+$0x11210] =	vst v15;
	v19 =	vadd.f32 v12, v6;
	v15 =	vcvt.f32.s32 v18;
	v12 =	vtrunc.f32 v10  }
.LBB2_14:
0x184: {  	s26 =	sshra.s32 s13, $0x2;
	p0 =	sne.s32 s13, $0x1FC0;
	s13 =	sadd.s32 $0x40, s13;
	vm0 =	vlt.f32 v14, v18;
	vm1 =	vlt.f32 v13, v16;
	v13 =	vmin.u32 v17, $0x3FFFF  }
0x185: {  	v14 =	vld [tilespmem:s26+$0x7800];
	v16 =	vadd.f32 v19, v19;
	v17 =	vsel vm0, $0xFFFFFFFF, v1;
	v13 =	vor.u32 v0, v13  }
0x186: {  	vm0 =	vlt.f32 v10, v12;
	v18 =	vld [tilespmem:s26+$0x3800];
	v15 =	vadd.s32 v15, v17;
	v17 =	vsel vm1, $0xFFFFFFFF, v1;
	[tilespmem:s0+$0x10210] =	vst v13;
	s0 =	smov.u32 s1;
	s1 =	smov.u32 s29;
	s29 =	smov.u32 s26  }
0x187: {  	v10 =	vmul.f32 v16, v3;
	v13 =	vmul.f32 v16, v4;
	v11 =	vadd.s32 v11, v17  }
0x188: {  	v12 =	vcvt.f32.s32 v12;
	v16 =	vmul.f32 v16, v5;
	v15 =	vshll.u32 v15, $0xC;
	v17 =	vld [tilespmem:s29+$0xB800]  }
0x189: {  	v11 =	vshll.u32 v11, $0x6;
	v10 =	vsub.f32 v8, v10;
	v19 =	vsub.f32 v7, v13  }
0x18a: {  	v20 =	vsel vm0, $0xFFFFFFFF, v1;
	v21 =	vsub.f32 v9, v16;
	v13 =	vmul.f32 v14, v4;
	v7 =	vmovc v14  }
0x18b: {  	v12 =	vadd.s32 v12, v20;
	v14 =	vmul.f32 v18, v3;
	v16 =	vadd.f32 $5.000000000e-01, v19;
	[tilespmem:s1+$0x10A10] =	vst v10;
	v8 =	vmovc v18  }
0x18c: {  	v11 =	vadd.s32 v11, v12;
	v10 =	vadd.f32 $5.000000000e-01, v10;
	v18 =	vadd.f32 $5.000000000e-01, v21;
	[tilespmem:s1+$0x11A10] =	vst v21  }
.Ltmp6:
0x18d: {  	v12 =	vadd.f32 v13, v14;
	v20 =	vmul.f32 v17, v5;
	v13 =	vmul.f32 $6.400000000e+01, v16;
	[tilespmem:s1+$0x11210] =	vst v19;
	v9 =	vmovc v17;
	(pc) =	sbr.rel @p0 .LBB2_14-.Ltmp6, $4  }
0x18e: {  	v15 =	vadd.s32 v15, v11;
	v14 =	vmul.f32 $6.400000000e+01, v10;
	v10 =	vmul.f32 $6.400000000e+01, v18  }
0x18f: {  	vm0 =	vgt.s32 v15, $0x0;
	v12 =	vadd.f32 v20, v12;
	v16 =	vtrunc.f32 v13  }
0x190: {  	v17 =	vnsel vm0, $0x0, v15;
	v18 =	vtrunc.f32 v14;
	v11 =	vcvt.f32.s32 v16  }
0x191: {  	v15 =	vcvt.f32.s32 v18;
	v19 =	vadd.f32 v12, v6;
	v12 =	vtrunc.f32 v10  }
0x192: {  	_ = 	snop  }
0x193: {  	v6 =	vadd.f32 v19, v19  }
0x194: {  	vm0 =	vlt.f32 v14, v18  }
0x195: {  	vm1 =	vlt.f32 v13, v16;
	v3 =	vmul.f32 v6, v3;
	v4 =	vmul.f32 v6, v4  }
0x196: {  	v52 =	vmin.u32 v17, $0x3FFFF;
	vm10 =	vlt.f32 v10, v12;
	v5 =	vmul.f32 v6, v5  }
0x197: {  	v14 =	vsel vm0, $0xFFFFFFFF, v1;
	v3 =	vsub.f32 v8, v3;
	v4 =	vsub.f32 v7, v4  }
0x198: {  	v54 =	vsel vm10, $0xFFFFFFFF, v1;
	v6 =	vor.u32 v0, v52;
	v5 =	vsub.f32 v9, v5  }
0x199: {  	v8 =	vsel vm1, $0xFFFFFFFF, v1;
	v9 =	vadd.f32 $5.000000000e-01, v4;
	v10 =	vadd.f32 $5.000000000e-01, v3  }
0x19a: {  	v8 =	vadd.s32 v11, v8;
	v11 =	vcvt.f32.s32 v12;
	v53 =	vadd.f32 $5.000000000e-01, v5  }
0x19b: {  	v7 =	vadd.s32 v15, v14;
	v9 =	vmul.f32 $6.400000000e+01, v9;
	v10 =	vmul.f32 $6.400000000e+01, v10  }
0x19c: {  	v7 =	vshll.u32 v7, $0xC;
	v8 =	vshll.u32 v8, $0x6;
	v12 =	vmul.f32 $6.400000000e+01, v53  }
0x19d: {  	v11 =	vadd.s32 v11, v54;
	v55 =	vtrunc.f32 v9;
	v56 =	vtrunc.f32 v10  }
0x19e: {  	v8 =	vadd.s32 v8, v11;
	v58 =	vtrunc.f32 v12;
	v11 =	vcvt.f32.s32 v55  }
0x19f: {  	v57 =	vcvt.f32.s32 v56;
	vm11 =	vlt.f32 v10, v56;
	vm12 =	vlt.f32 v9, v55  }
0x1a0: {  	vm13 =	vlt.f32 v12, v58;
	v10 =	vcvt.f32.s32 v58;
	v9 =	vsel vm12, $0xFFFFFFFF, v1  }
0x1a1: {  	v59 =	vsel vm11, $0xFFFFFFFF, v1;
	v9 =	vadd.s32 v11, v9;
	v11 =	vsel vm13, $0xFFFFFFFF, v1  }
0x1a2: {  	v12 =	vadd.s32 v57, v59;
	v9 =	vshll.u32 v9, $0x6;
	v10 =	vadd.s32 v10, v11  }
0x1a3: {  	v7 =	vadd.s32 v7, v8;
	v8 =	vshll.u32 v12, $0xC;
	v9 =	vadd.s32 v9, v10  }
0x1a4: {  	[tilespmem:s0+$0x10210] =	vst v6;
	vm14 =	vgt.s32 v7, $0x0;
	v6 =	vadd.s32 v8, v9  }
0x1a5: {  	[tilespmem:s29+$0x10A10] =	vst v3;
	v3 =	vnsel vm14, $0x0, v7;
	vm15 =	vgt.s32 v6, $0x0  }
0x1a6: {  	[tilespmem:s29+$0x11A10] =	vst v5;
	v3 =	vmin.u32 v3, $0x3FFFF;
	v5 =	vnsel vm15, $0x0, v6  }
0x1a7: {  	[tilespmem:s29+$0x11210] =	vst v4;
	v3 =	vor.u32 v0, v3;
	v4 =	vmin.u32 v5, $0x3FFFF  }
0x1a8: {  	[tilespmem:s1+$0x10210] =	vst v3;
	v3 =	vor.u32 v0, v4  }
0x1a9: {  	[tilespmem:s29+$0x10210] =	vst v3  }
0x1aa: {  	[tilespmem:s21], [sflag:$0x2] =	stream.indirect.gather [hbm4b:s5+s14], $0x1, s20, s14, $0xb8;
	[tilespmem:$0x14210] =	vst v63  }
0x1ab: {  	_ = 	snop  }
0x1ac: {  	[tilespmem:s22], [sflag:$0x2] =	stream.indirect.gather [hbm4b:s2+s14], $0x1, s20, s14, $0xb8;
	[tilespmem:$0x14210] =	vst v63  }
0x1ad: {  	_ = 	snop  }
0x1ae: {  	[tilespmem:s23], [sflag:$0x2] =	stream.indirect.gather [hbm4b:s6+s14], $0x1, s20, s14, $0xb8;
	[tilespmem:$0x14210] =	vst v63  }
0x1af: {  	_ = 	snop  }
0x1b0: {  	[tilespmem:s24], [sflag:$0x2] =	stream.indirect.gather [hbm4b:s7+s14], $0x1, s20, s14, $0xb8;
	[tilespmem:$0x14210] =	vst v63  }
0x1b1: {  	_ =	swait.ge [sflag:s4], $0x800  }
0x1b2: {  	[sflag:s4] =	ssyncset.done $0x0  }
0x1b3: {  	[sflag:s4] =	ssyncadd.s32 $0xFFFFF800  }
0x1b4: {  	_ =	swait.ge [sflag:s4], $0x800  }
0x1b5: {  	[sflag:s4] =	ssyncset.done $0x0  }
0x1b6: {  	[sflag:s4] =	ssyncadd.s32 $0xFFFFF800  }
0x1b7: {  	_ =	swait.ge [sflag:s4], $0x800  }
0x1b8: {  	[sflag:s4] =	ssyncset.done $0x0  }
0x1b9: {  	[sflag:s4] =	ssyncadd.s32 $0xFFFFF800  }
0x1ba: {  	_ =	swait.ge [sflag:s4], $0x800  }
0x1bb: {  	[sflag:s4] =	ssyncset.done $0x0  }
0x1bc: {  	s30 =	simm.s32 $0x0;
	[sflag:s4] =	ssyncadd.s32 $0xFFFFF800  }
0x1bd: {  	v3 =	vld [tilespmem:s30+$0xCA10]  }
0x1be: {  	v4 =	vld [tilespmem:s30+$0xE210]  }
0x1bf: {  	v5 =	vld [tilespmem:s30+$0xD210]  }
0x1c0: {  	v6 =	vld [tilespmem:s30+$0xEA10]  }
0x1c1: {  	v7 =	vld [tilespmem:s30+$0xDA10]  }
0x1c2: {  	v8 =	vld [tilespmem:s30+$0xF210]  }
0x1c3: {  	s31 =	simm.s32 $0x10;
	v9 =	vld [tilespmem:s30+$0xFA10]  }
0x1c4: {  	v10 =	vld [tilespmem:s31+$0xCA10]  }
0x1c5: {  	v11 =	vld [tilespmem:s31+$0xE210];
	v3 =	vsub.f32 v3, v4;
	v4 =	vsub.f32 v5, v6  }
0x1c6: {  	v60 =	vld [tilespmem:s31+$0xD210]  }
0x1c7: {  	v61 =	vld [tilespmem:s31+$0xEA10];
	v5 =	vsub.f32 v7, v8;
	v3 =	vmul.f32 v3, v3;
	v4 =	vmul.f32 v4, v4  }
0x1c8: {  	v6 =	vld [tilespmem:s31+$0xDA10]  }
0x1c9: {  	s0 =	simm.s32 $0x20;
	v8 =	vld [tilespmem:s31+$0xF210];
	v7 =	vsub.f32 $1.000000000e+00, v9;
	v9 =	vmul.f32 v5, v5;
	v4 =	vadd.f32 v4, v3  }
0x1ca: {  	v5 =	vld [tilespmem:s0+$0xCA10]  }
0x1cb: {  	v63 =	vmul.f32 v7, v7;
	v3 =	vld [tilespmem:s31+$0xFA10];
	v62 =	vadd.f32 v9, v4  }
0x1cc: {  	v7 =	vld [tilespmem:s0+$0xD210];
	v9 =	vsub.f32 v10, v11;
	v10 =	vsub.f32 v60, v61  }
0x1cd: {  	s1 =	simm.s32 $0xC0;
	v4 =	vld [tilespmem:s0+$0xE210];
	v11 =	vmul.f32 v63, v62  }
.LBB2_16:
0x1ce: {  	p0 =	sne.s32 s1, $0x1FC0;
	v12 =	vld [tilespmem:s0+$0xEA10];
	v14 =	vsub.f32 v6, v8;
	v9 =	vmul.f32 v9, v9;
	v10 =	vmul.f32 v10, v10  }
0x1cf: {  	v6 =	vld [tilespmem:s0+$0xDA10];
	v2 =	vadd.f32 v11, v2  }
.Ltmp7:
0x1d0: {  	v11 =	vsub.f32 $1.000000000e+00, v3;
	v8 =	vld [tilespmem:s0+$0xF210];
	v9 =	vadd.f32 v10, v9;
	v10 =	vmul.f32 v14, v14;
	v13 =	vmovc v5;
	(pc) =	sbr.rel @p0 .LBB2_16-.Ltmp7, $4  }
0x1d1: {  	v3 =	vld [tilespmem:s0+$0xFA10];
	s0 =	sshra.s32 s1, $0x2  }
0x1d2: {  	v11 =	vmul.f32 v11, v11;
	v5 =	vld [tilespmem:s0+$0xCA10];
	v14 =	vadd.f32 v10, v9  }
0x1d3: {  	v9 =	vsub.f32 v13, v4;
	v4 =	vld [tilespmem:s0+$0xE210];
	v10 =	vsub.f32 v7, v12  }
0x1d4: {  	s1 =	sadd.s32 $0x40, s1;
	v7 =	vld [tilespmem:s0+$0xD210];
	v11 =	vmul.f32 v11, v14  }
0x1d5: {  	v12 =	vld [tilespmem:s0+$0xEA10]  }
0x1d6: {  	v13 =	vld [tilespmem:s0+$0xDA10]  }
0x1d7: {  	v14 =	vld [tilespmem:s0+$0xF210]  }
0x1d8: {  	v15 =	vld [tilespmem:s0+$0xFA10];
	_ =	swait.ge [sflag:s25], $0x800  }
0x1d9: {  	[sflag:s25] =	ssyncset.done $0x0  }
0x1da: {  	[sflag:s25] =	ssyncadd.s32 $0xFFFFF800  }
0x1db: {  	_ =	swait.ge [sflag:s25], $0x800  }
0x1dc: {  	[sflag:s25] =	ssyncset.done $0x0  }
0x1dd: {  	[sflag:s25] =	ssyncadd.s32 $0xFFFFF800  }
0x1de: {  	_ =	swait.ge [sflag:s25], $0x800  }
0x1df: {  	[sflag:s25] =	ssyncset.done $0x0  }
0x1e0: {  	[sflag:s25] =	ssyncadd.s32 $0xFFFFF800  }
0x1e1: {  	_ =	swait.ge [sflag:s25], $0x800  }
0x1e2: {  	[sflag:s25] =	ssyncset.done $0x0  }
0x1e3: {  	s31 =	simm.s32 $0x0;
	[sflag:s25] =	ssyncadd.s32 $0xFFFFF800  }
0x1e4: {  	v16 =	vld [tilespmem:s31+$0x10A10]  }
0x1e5: {  	v6 =	vsub.f32 v6, v8;
	v17 =	vld [tilespmem:s31+$0x12210]  }
0x1e6: {  	v8 =	vmul.f32 v9, v9;
	v9 =	vmul.f32 v10, v10;
	v2 =	vadd.f32 v11, v2;
	v10 =	vld [tilespmem:s31+$0x11210]  }
0x1e7: {  	v4 =	vsub.f32 v5, v4;
	v5 =	vsub.f32 v7, v12;
	v18 =	vld [tilespmem:s31+$0x12A10]  }
0x1e8: {  	v3 =	vsub.f32 $1.000000000e+00, v3;
	v8 =	vadd.f32 v9, v8;
	v6 =	vmul.f32 v6, v6;
	v9 =	vld [tilespmem:s31+$0x11A10]  }
0x1e9: {  	v11 =	vsub.f32 v13, v14;
	v4 =	vmul.f32 v4, v4;
	v5 =	vmul.f32 v5, v5;
	v7 =	vld [tilespmem:s31+$0x13210]  }
0x1ea: {  	s1 =	simm.s32 $0x10;
	v3 =	vmul.f32 v3, v3;
	v6 =	vadd.f32 v6, v8;
	v8 =	vld [tilespmem:s31+$0x13A10]  }
0x1eb: {  	v15 =	vsub.f32 $1.000000000e+00, v15;
	v4 =	vadd.f32 v5, v4;
	v5 =	vmul.f32 v11, v11;
	v60 =	vld [tilespmem:s1+$0x10A10]  }
0x1ec: {  	v62 =	vld [tilespmem:s1+$0x12210];
	v61 =	vsub.f32 v16, v17;
	v10 =	vsub.f32 v10, v18  }
0x1ed: {  	v6 =	vmul.f32 v3, v6;
	v15 =	vmul.f32 v15, v15;
	v4 =	vadd.f32 v5, v4;
	v11 =	vld [tilespmem:s1+$0x11210]  }
0x1ee: {  	v7 =	vsub.f32 v9, v7;
	v9 =	vld [tilespmem:s1+$0x12A10];
	v13 =	vmul.f32 v61, v61;
	v10 =	vmul.f32 v10, v10  }
0x1ef: {  	v2 =	vadd.f32 v6, v2;
	v3 =	vld [tilespmem:s1+$0x11A10];
	v6 =	vmul.f32 v15, v4  }
0x1f0: {  	v5 =	vld [tilespmem:s1+$0x13210];
	v8 =	vsub.f32 $1.000000000e+00, v8;
	v7 =	vmul.f32 v7, v7;
	v10 =	vadd.f32 v10, v13  }
0x1f1: {  	s0 =	simm.s32 $0x20;
	v4 =	vld [tilespmem:s1+$0x13A10]  }
0x1f2: {  	v2 =	vadd.f32 v6, v2;
	v63 =	vmul.f32 v8, v8;
	v13 =	vadd.f32 v7, v10;
	v7 =	vld [tilespmem:s0+$0x10A10]  }
0x1f3: {  	v6 =	vld [tilespmem:s0+$0x12210];
	v11 =	vsub.f32 v11, v9;
	v10 =	vsub.f32 v60, v62  }
0x1f4: {  	s1 =	simm.s32 $0xC0;
	v8 =	vld [tilespmem:s0+$0x11210];
	v9 =	vmul.f32 v63, v13  }
.LBB2_18:
0x1f5: {  	p0 =	sne.s32 s1, $0x1FC0;
	v12 =	vld [tilespmem:s0+$0x12A10];
	v14 =	vsub.f32 v3, v5;
	v10 =	vmul.f32 v10, v10;
	v11 =	vmul.f32 v11, v11  }
0x1f6: {  	v3 =	vld [tilespmem:s0+$0x11A10];
	v2 =	vadd.f32 v9, v2  }
.Ltmp8:
0x1f7: {  	v9 =	vsub.f32 $1.000000000e+00, v4;
	v5 =	vld [tilespmem:s0+$0x13210];
	v10 =	vadd.f32 v11, v10;
	v11 =	vmul.f32 v14, v14;
	v13 =	vmovc v7;
	(pc) =	sbr.rel @p0 .LBB2_18-.Ltmp8, $4  }
0x1f8: {  	v4 =	vld [tilespmem:s0+$0x13A10];
	s0 =	sshra.s32 s1, $0x2  }
0x1f9: {  	v9 =	vmul.f32 v9, v9;
	v7 =	vld [tilespmem:s0+$0x10A10];
	v14 =	vadd.f32 v11, v10  }
0x1fa: {  	v10 =	vsub.f32 v13, v6;
	v6 =	vld [tilespmem:s0+$0x12210];
	v11 =	vsub.f32 v8, v12  }
0x1fb: {  	s1 =	sadd.s32 $0x40, s1;
	v8 =	vld [tilespmem:s0+$0x11210];
	v9 =	vmul.f32 v9, v14  }
0x1fc: {  	v12 =	vld [tilespmem:s0+$0x12A10]  }
0x1fd: {  	v13 =	vld [tilespmem:s0+$0x11A10]  }
0x1fe: {  	v14 =	vld [tilespmem:s0+$0x13210];
	_ =	sdelay $0x1  }
0x1ff: {  	v3 =	vsub.f32 v3, v5;
	v56 =	vmul.f32 v10, v10;
	v57 =	vmul.f32 v11, v11;
	v58 =	vld [tilespmem:s0+$0x13A10]  }
0x200: {  	v6 =	vsub.f32 v7, v6;
	v59 =	vsub.f32 v8, v12  }
0x201: {  	v4 =	vsub.f32 $1.000000000e+00, v4;
	v5 =	vadd.f32 v57, v56;
	v3 =	vmul.f32 v3, v3  }
0x202: {  	v60 =	vsub.f32 v13, v14;
	v6 =	vmul.f32 v6, v6;
	v7 =	vmul.f32 v59, v59  }
0x203: {  	v4 =	vmul.f32 v4, v4;
	v3 =	vadd.f32 v3, v5  }
0x204: {  	v61 =	vsub.f32 $1.000000000e+00, v58;
	v62 =	vmul.f32 v60, v60;
	v6 =	vadd.f32 v7, v6  }
0x205: {  	v2 =	vadd.f32 v9, v2  }
0x206: {  	v3 =	vmul.f32 v4, v3;
	v5 =	vmul.f32 v61, v61;
	v63 =	vadd.f32 v62, v6;
	_ =	sdelay $0x1  }
0x207: {  	v2 =	vadd.f32 v3, v2;
	v3 =	vmul.f32 v5, v63;
	_ =	sdelay $0x1  }
0x208: {  	s28 =	sadd.s32 $0x1, s28;
	v2 =	vadd.f32 v3, v2  }
0x209: {  	p0 =	sne.s32 s28, s11  }
.Ltmp9:
0x20a: {  	s31 =	simm.s32 $0xC200;
	[tilespmem:$0xC200] =	vst v2;
	(pc) =	sbr.rel @p0 .LBB2_1-.Ltmp9, $4  }
0x20b: {  	[hbm4b:s10+s3] =	stream.linear.scatter [tilespmem:s31], [sflag:$0x3], $0x10, $0x38;
	[tilespmem:$0x14210] =	vst v63  }
0x20c: {  	_ =	swait.ge [sflag:s12], $0x10  }
0x20d: {  	[sflag:s12] =	ssyncset.done $0x0  }
0x20e: {  	[sflag:s12] =	ssyncadd.s32 $0xFFFFFFF0  }
0x20f: {  	_ =	sfence.sel $0x180000  }
0x210: {  	[bflag:$0x0] =	sbarrier.arrive $0xFFFF  }
0x211: {  	_ =	strace $0x90000047  }
0x212: {  	s0 =	stileid.u32;
	[bflag:$0x2] =	sbarrier.arrive $0xFFFF  }
0x213: {  	p0 =	sne.s32 s0, $0x0;
	s0 =	rddreg [dreg:$0x1]  }
0x214: {  	s0 =	sadd.s32 @!p0 $0x100000, s0  }
0x215: {  	[sflag:s0] =	ssyncadd.tile.s32 @!p0 $0x1;
	_ =	shalt  }
.Lfunc_end2:
_tile_overlayer_lowered:
.L_overlay_start_2:
0x216: {  	(tag) =	ssettag $0x2  }
0x217: {  	s0 =	rddreg [dreg:$0x0];
	s2 =	stileid.u32  }
0x218: {  	s1 =	rddreg [dreg:$0x1];
	p0 =	sne.s32 s2, $0x0  }
0x219: {  	s3 =	rddreg [dreg:$0x2];
	[bflag:$0x3] =	sbarrier.arrive $0xFFFF;
	s2 =	simm.s32 @!p0 $0x1C03  }
0x21a: {  	[timem:s3], [sflag:s2] =	dma.local @!p0 [hbm:s0], s1  }
0x21b: {  	s0 =	simm.s32 @!p0 $0x3  }
0x21c: {  	_ =	swait.ge @!p0 [sflag:s0], s1  }
0x21d: {  	s1 =	ssub.s32 @!p0 $0x0, s1;
	[sflag:s0] =	ssyncset.done @!p0 $0x0  }
0x21e: {  	[sflag:s0] =	ssyncadd.s32 @!p0 s1  }
0x21f: {  	[bflag:$0x3] =	sbarrier.arrive $0xFFFF  }
0x220: {  	_ =	shalt  }

</sc_bundles>
